<compile_context>
chip_gen: v7x
topology: tpu7x:2x2x1
jax: 0.10.2.dev20260603
libtpu: 0.0.44.dev20260713+nightly
codegen_flags: <defaults>
</compile_context>

<pallas_src>
import functools

import jax
import jax.numpy as jnp
from jax import lax
from jax.experimental import pallas as pl
from jax.experimental.pallas import tpu as pltpu
from jax.experimental.pallas import tpu_sc as plsc

L = 16
NC, NS = 2, 16
NW = NC * NS
N_ROWS, N_COLS = 16384, 1000
K = 100
GOFF = (0, 16, 32, 48, 64, 80, 84)
ROWS_PER_W = N_ROWS // NW
R = 16
NCHUNK = ROWS_PER_W // R
NB = 4


def _sc_gather(x, sub_list_indices):
  mesh = plsc.VectorSubcoreMesh(core_axis_name="c", subcore_axis_name="s")

  @functools.partial(
      pl.kernel,
      mesh=mesh,
      out_type=jax.ShapeDtypeStruct((N_ROWS, K), jnp.float32),
      compiler_params=pltpu.CompilerParams(needs_layout_passes=False),
      scratch_types=[
          pltpu.VMEM((K,), jnp.int32),
          [pltpu.VMEM((R, N_COLS), jnp.float32) for _ in range(NB)],
          [pltpu.VMEM((R, K), jnp.float32) for _ in range(NB)],
          [pltpu.SemaphoreType.DMA for _ in range(NB)],
          [pltpu.SemaphoreType.DMA for _ in range(NB)],
      ],
  )
  def k(x_hbm, idx_hbm, out_hbm, idx_v, xbufs, obufs, in_sems, out_sems):
    wid = lax.axis_index("s") * NC + lax.axis_index("c")
    base = wid * ROWS_PER_W
    pltpu.sync_copy(idx_hbm, idx_v)
    cols = [idx_v[pl.ds(g, L)] for g in GOFF]

    def start_in(c, b):
      pltpu.async_copy(x_hbm.at[pl.ds(base + c * R, R)], xbufs[b],
                       in_sems[b])

    def start_out(c, b):
      pltpu.async_copy(obufs[b], out_hbm.at[pl.ds(base + c * R, R)],
                       out_sems[b])

    def wait_in(b):
      pltpu.make_async_copy(x_hbm.at[pl.ds(0, R)], xbufs[b],
                            in_sems[b]).wait()

    def wait_out(b):
      pltpu.make_async_copy(obufs[b], out_hbm.at[pl.ds(0, R)],
                            out_sems[b]).wait()

    for b in range(NB):
      start_in(b, b)

    def outer(i, carry):
      c0 = i * NB
      for b in range(NB):
        c = c0 + b
        wait_in(b)

        @pl.when(c >= NB)
        def _():
          wait_out(b)

        xbuf, obuf = xbufs[b], obufs[b]

        def row_body(r, carry2):
          rvec = jnp.full((L,), r, jnp.int32)
          for g, col in zip(GOFF, cols):
            obuf[r, pl.ds(g, L)] = plsc.load_gather(xbuf, [rvec, col])
          return carry2

        lax.fori_loop(0, R, row_body, 0)
        plsc.subcore_barrier()
        start_out(c, b)

        @pl.when(c + NB < NCHUNK)
        def _():
          start_in(c + NB, b)
      return carry

    lax.fori_loop(0, NCHUNK // NB, outer, 0)
    for b in range(NB):
      wait_out(b)

  return k(x, sub_list_indices)


def kernel(x, sub_list_indices):
  return _sc_gather(x, sub_list_indices)

# --- scband reference (transcript-rebuilt; emitter-appended) ---
"""Pipeline reference for scband-asymmetric-class-mapper-12017318494829 (READ-ONLY COPY).

The authoritative reference and input builder live on the scoring server;
editing this copy changes nothing except your own understanding.
"""

import jax, jax.numpy as jnp
import numpy as np


def setup_inputs(seed: int = 0) -> dict:
    key = jax.random.key(seed)
    x = jax.random.normal(key, (16384, 1000), dtype=jnp.float32)
    full_list = list(range(1000))
    sub_list = [10 * i for i in range(100)]
    sub_list_indices = jnp.asarray([full_list.index(it) for it in sub_list], dtype=jnp.int32)
    return {"x": x, "sub_list_indices": sub_list_indices}


def reference(x, sub_list_indices):
    # torch.index_select(x, dim=1, index=sub_list_indices)
    return jnp.take(x, sub_list_indices, axis=1)

if __name__ == "__main__":
    import jax
    _d = setup_inputs()
    print(jax.jit(kernel)(*tuple(_d.values())))

</pallas_src>

<mosaic_0001>
#map = affine_map<(d0, d1) -> (0, 0)>
#map1 = affine_map<(d0, d1) -> (0)>
module attributes {stable_mosaic.version = 14 : i64} {
  func.func @k(%arg0: i32, %arg1: i32, %arg2: memref<16384x1000xf32, #tpu.memory_space<hbm>>, %arg3: memref<100xi32, #tpu.memory_space<hbm>>, %arg4: memref<16384x100xf32, #tpu.memory_space<hbm>>, %arg5: memref<100xi32, #tpu.memory_space<vmem>>, %arg6: memref<16x1000xf32, #tpu.memory_space<vmem>>, %arg7: memref<16x1000xf32, #tpu.memory_space<vmem>>, %arg8: memref<16x1000xf32, #tpu.memory_space<vmem>>, %arg9: memref<16x1000xf32, #tpu.memory_space<vmem>>, %arg10: memref<16x100xf32, #tpu.memory_space<vmem>>, %arg11: memref<16x100xf32, #tpu.memory_space<vmem>>, %arg12: memref<16x100xf32, #tpu.memory_space<vmem>>, %arg13: memref<16x100xf32, #tpu.memory_space<vmem>>, %arg14: memref<!tpu.dma_semaphore, #tpu.memory_space<semaphore_mem>>, %arg15: memref<!tpu.dma_semaphore, #tpu.memory_space<semaphore_mem>>, %arg16: memref<!tpu.dma_semaphore, #tpu.memory_space<semaphore_mem>>, %arg17: memref<!tpu.dma_semaphore, #tpu.memory_space<semaphore_mem>>, %arg18: memref<!tpu.dma_semaphore, #tpu.memory_space<semaphore_mem>>, %arg19: memref<!tpu.dma_semaphore, #tpu.memory_space<semaphore_mem>>, %arg20: memref<!tpu.dma_semaphore, #tpu.memory_space<semaphore_mem>>, %arg21: memref<!tpu.dma_semaphore, #tpu.memory_space<semaphore_mem>>) attributes {dimension_semantics = [#tpu.dimension_semantics<core_parallel>, #tpu.dimension_semantics<subcore_parallel>], iteration_bounds = array<i64: 2, 16>, scalar_prefetch = 0 : i64, scratch_operands = 17 : i64, tpu.core_type = #tpu.core_type<sc_vector_subcore>, window_params = [{transform_indices = #map}, {transform_indices = #map1}, {transform_indices = #map}]} {
    %mul3A = arith.constant 2 : i32
    %mul3A_0 = arith.muli %arg1, %mul3A : i32
    %add3A = arith.addi %mul3A_0, %arg0 : i32
    %mul3A_1 = arith.constant 512 : i32
    %mul3A_2 = arith.muli %add3A, %mul3A_1 : i32
    "tpu.region"() ({
      %run_scoped3A = tpu.sem_alloc : memref<!tpu.dma_semaphore, #tpu.memory_space<semaphore_mem>>
      tpu.enqueue_dma source(%arg3 : memref<100xi32, #tpu.memory_space<hbm>>) target(%arg5 : memref<100xi32, #tpu.memory_space<vmem>>) target_semaphore(%run_scoped3A : memref<!tpu.dma_semaphore, #tpu.memory_space<semaphore_mem>>)
      tpu.wait_dma2 semaphore(%run_scoped3A : memref<!tpu.dma_semaphore, #tpu.memory_space<semaphore_mem>>) src(%arg3 : memref<100xi32, #tpu.memory_space<hbm>>) dst(%arg5 : memref<100xi32, #tpu.memory_space<vmem>>)
      tpu.yield
    }) : () -> ()
    %get3A = arith.constant 0 : index
    %get3A_3 = tpu.vector_load %arg5[%get3A] {strides = array<i32>} : memref<100xi32, #tpu.memory_space<vmem>>, vector<16xi32>,
    %get3A_4 = arith.constant 16 : index
    %get3A_5 = tpu.vector_load %arg5[%get3A_4] {strides = array<i32>} : memref<100xi32, #tpu.memory_space<vmem>>, vector<16xi32>,
    %get3A_6 = arith.constant 32 : index
    %get3A_7 = tpu.vector_load %arg5[%get3A_6] {strides = array<i32>} : memref<100xi32, #tpu.memory_space<vmem>>, vector<16xi32>,
    %get3A_8 = arith.constant 48 : index
    %get3A_9 = tpu.vector_load %arg5[%get3A_8] {strides = array<i32>} : memref<100xi32, #tpu.memory_space<vmem>>, vector<16xi32>,
    %get3A_10 = arith.constant 64 : index
    %get3A_11 = tpu.vector_load %arg5[%get3A_10] {strides = array<i32>} : memref<100xi32, #tpu.memory_space<vmem>>, vector<16xi32>,
    %get3A_12 = arith.constant 80 : index
    %get3A_13 = tpu.vector_load %arg5[%get3A_12] {strides = array<i32>} : memref<100xi32, #tpu.memory_space<vmem>>, vector<16xi32>,
    %get3A_14 = arith.constant 84 : index
    %get3A_15 = tpu.vector_load %arg5[%get3A_14] {strides = array<i32>} : memref<100xi32, #tpu.memory_space<vmem>>, vector<16xi32>,
    %add3A_16 = arith.constant 0 : i32
    %add3A_17 = arith.addi %mul3A_2, %add3A_16 : i32
    %dma_start3A = arith.constant 0 : i32
    %dma_start3A_18 = tpu.memref_slice %arg2[%add3A_17, %dma_start3A] : memref<16384x1000xf32, #tpu.memory_space<hbm>> -> memref<16x1000xf32, #tpu.memory_space<hbm>>
    %dma_start3A_19 = arith.constant 0 : i32
    %dma_start3A_20 = tpu.memref_slice %arg2[%add3A_17, %dma_start3A_19] : memref<16384x1000xf32, #tpu.memory_space<hbm>> -> memref<16x1000xf32, #tpu.memory_space<hbm>>
    tpu.enqueue_dma source(%dma_start3A_20 : memref<16x1000xf32, #tpu.memory_space<hbm>>) target(%arg6 : memref<16x1000xf32, #tpu.memory_space<vmem>>) target_semaphore(%arg14 : memref<!tpu.dma_semaphore, #tpu.memory_space<semaphore_mem>>)
    %add3A_21 = arith.constant 16 : i32
    %add3A_22 = arith.addi %mul3A_2, %add3A_21 : i32
    %dma_start3A_23 = arith.constant 0 : i32
    %dma_start3A_24 = tpu.memref_slice %arg2[%add3A_22, %dma_start3A_23] : memref<16384x1000xf32, #tpu.memory_space<hbm>> -> memref<16x1000xf32, #tpu.memory_space<hbm>>
    %dma_start3A_25 = arith.constant 0 : i32
    %dma_start3A_26 = tpu.memref_slice %arg2[%add3A_22, %dma_start3A_25] : memref<16384x1000xf32, #tpu.memory_space<hbm>> -> memref<16x1000xf32, #tpu.memory_space<hbm>>
    tpu.enqueue_dma source(%dma_start3A_26 : memref<16x1000xf32, #tpu.memory_space<hbm>>) target(%arg7 : memref<16x1000xf32, #tpu.memory_space<vmem>>) target_semaphore(%arg15 : memref<!tpu.dma_semaphore, #tpu.memory_space<semaphore_mem>>)
    %add3A_27 = arith.constant 32 : i32
    %add3A_28 = arith.addi %mul3A_2, %add3A_27 : i32
    %dma_start3A_29 = arith.constant 0 : i32
    %dma_start3A_30 = tpu.memref_slice %arg2[%add3A_28, %dma_start3A_29] : memref<16384x1000xf32, #tpu.memory_space<hbm>> -> memref<16x1000xf32, #tpu.memory_space<hbm>>
    %dma_start3A_31 = arith.constant 0 : i32
    %dma_start3A_32 = tpu.memref_slice %arg2[%add3A_28, %dma_start3A_31] : memref<16384x1000xf32, #tpu.memory_space<hbm>> -> memref<16x1000xf32, #tpu.memory_space<hbm>>
    tpu.enqueue_dma source(%dma_start3A_32 : memref<16x1000xf32, #tpu.memory_space<hbm>>) target(%arg8 : memref<16x1000xf32, #tpu.memory_space<vmem>>) target_semaphore(%arg16 : memref<!tpu.dma_semaphore, #tpu.memory_space<semaphore_mem>>)
    %add3A_33 = arith.constant 48 : i32
    %add3A_34 = arith.addi %mul3A_2, %add3A_33 : i32
    %dma_start3A_35 = arith.constant 0 : i32
    %dma_start3A_36 = tpu.memref_slice %arg2[%add3A_34, %dma_start3A_35] : memref<16384x1000xf32, #tpu.memory_space<hbm>> -> memref<16x1000xf32, #tpu.memory_space<hbm>>
    %dma_start3A_37 = arith.constant 0 : i32
    %dma_start3A_38 = tpu.memref_slice %arg2[%add3A_34, %dma_start3A_37] : memref<16384x1000xf32, #tpu.memory_space<hbm>> -> memref<16x1000xf32, #tpu.memory_space<hbm>>
    tpu.enqueue_dma source(%dma_start3A_38 : memref<16x1000xf32, #tpu.memory_space<hbm>>) target(%arg9 : memref<16x1000xf32, #tpu.memory_space<vmem>>) target_semaphore(%arg17 : memref<!tpu.dma_semaphore, #tpu.memory_space<semaphore_mem>>)
    %scan3A = arith.constant 0 : i32
    %scan3A_39 = arith.constant 0 : i32
    %scan3A_40 = arith.constant 8 : i32
    %scan3A_41 = arith.addi %scan3A_39, %scan3A_40 : i32
    %scan3A_42 = arith.constant 1 : i32
    scf.for %scan3A_67 = %scan3A_39 to %scan3A_41 step %scan3A_42  : i32 {
      %mul3A_68 = arith.constant 4 : i32
      %mul3A_69 = arith.muli %scan3A_67, %mul3A_68 : i32
      %add3A_70 = arith.constant 0 : i32
      %add3A_71 = arith.addi %mul3A_69, %add3A_70 : i32
      %dma_wait3A_72 = arith.constant 0 : i32
      %dma_wait3A_73 = arith.constant 0 : i32
      %dma_wait3A_74 = tpu.memref_slice %arg2[%dma_wait3A_72, %dma_wait3A_73] : memref<16384x1000xf32, #tpu.memory_space<hbm>> -> memref<16x1000xf32, #tpu.memory_space<hbm>>
      %dma_wait3A_75 = arith.constant 0 : i32
      %dma_wait3A_76 = arith.constant 0 : i32
      %dma_wait3A_77 = tpu.memref_slice %arg2[%dma_wait3A_75, %dma_wait3A_76] : memref<16384x1000xf32, #tpu.memory_space<hbm>> -> memref<16x1000xf32, #tpu.memory_space<hbm>>
      tpu.wait_dma2 semaphore(%arg14 : memref<!tpu.dma_semaphore, #tpu.memory_space<semaphore_mem>>) src(%dma_wait3A_77 : memref<16x1000xf32, #tpu.memory_space<hbm>>) dst(%arg6 : memref<16x1000xf32, #tpu.memory_space<vmem>>)
      %ge3A = arith.constant 4 : i32
      %ge3A_78 = arith.cmpi sge, %add3A_71, %ge3A : i32
      %convert_element_type3A = arith.extui %ge3A_78 : i1 to i32
      %cond3A = arith.constant 0 : i32
      %cond3A_79 = arith.cmpi ne, %convert_element_type3A, %cond3A : i32
      scf.if %cond3A_79 {
        %dma_wait3A_201 = arith.constant 0 : i32
        %dma_wait3A_202 = arith.constant 0 : i32
        %dma_wait3A_203 = tpu.memref_slice %arg4[%dma_wait3A_201, %dma_wait3A_202] : memref<16384x100xf32, #tpu.memory_space<hbm>> -> memref<16x100xf32, #tpu.memory_space<hbm>>
        %dma_wait3A_204 = arith.constant 0 : i32
        %dma_wait3A_205 = arith.constant 0 : i32
        %dma_wait3A_206 = tpu.memref_slice %arg4[%dma_wait3A_204, %dma_wait3A_205] : memref<16384x100xf32, #tpu.memory_space<hbm>> -> memref<16x100xf32, #tpu.memory_space<hbm>>
        tpu.wait_dma2 semaphore(%arg18 : memref<!tpu.dma_semaphore, #tpu.memory_space<semaphore_mem>>) src(%arg10 : memref<16x100xf32, #tpu.memory_space<vmem>>) dst(%dma_wait3A_206 : memref<16x100xf32, #tpu.memory_space<hbm>>)
      } else {
      }
      %scan3A_80 = arith.constant 0 : i32
      %scan3A_81 = arith.constant 0 : i32
      %scan3A_82 = arith.constant 16 : i32
      %scan3A_83 = arith.addi %scan3A_81, %scan3A_82 : i32
      %scan3A_84 = arith.constant 1 : i32
      scf.for %scan3A_201 = %scan3A_81 to %scan3A_83 step %scan3A_84  : i32 {
        %broadcast_in_dim3A = vector.broadcast %scan3A_201 : i32 to vector<16xi32>
        %gather3A = tpu.vector_load_idx %arg6[%broadcast_in_dim3A, %get3A_3] : memref<16x1000xf32, #tpu.memory_space<vmem>>[vector<16xi32>, vector<16xi32>], vector<16xf32>,
        %swap3A = arith.index_cast %scan3A_201 : i32 to index
        %swap3A_202 = arith.constant 0 : index
        %swap3A_203 = tpu.vector_load %arg10[%swap3A, %swap3A_202] {strides = array<i32>} : memref<16x100xf32, #tpu.memory_space<vmem>>, vector<16xf32>,
        tpu.vector_store %arg10[%swap3A, %swap3A_202], %gather3A {strides = array<i32>} : memref<16x100xf32, #tpu.memory_space<vmem>>, vector<16xf32>,
        %gather3A_204 = tpu.vector_load_idx %arg6[%broadcast_in_dim3A, %get3A_5] : memref<16x1000xf32, #tpu.memory_space<vmem>>[vector<16xi32>, vector<16xi32>], vector<16xf32>,
        %swap3A_205 = arith.index_cast %scan3A_201 : i32 to index
        %swap3A_206 = arith.constant 16 : index
        %swap3A_207 = tpu.vector_load %arg10[%swap3A_205, %swap3A_206] {strides = array<i32>} : memref<16x100xf32, #tpu.memory_space<vmem>>, vector<16xf32>,
        tpu.vector_store %arg10[%swap3A_205, %swap3A_206], %gather3A_204 {strides = array<i32>} : memref<16x100xf32, #tpu.memory_space<vmem>>, vector<16xf32>,
        %gather3A_208 = tpu.vector_load_idx %arg6[%broadcast_in_dim3A, %get3A_7] : memref<16x1000xf32, #tpu.memory_space<vmem>>[vector<16xi32>, vector<16xi32>], vector<16xf32>,
        %swap3A_209 = arith.index_cast %scan3A_201 : i32 to index
        %swap3A_210 = arith.constant 32 : index
        %swap3A_211 = tpu.vector_load %arg10[%swap3A_209, %swap3A_210] {strides = array<i32>} : memref<16x100xf32, #tpu.memory_space<vmem>>, vector<16xf32>,
        tpu.vector_store %arg10[%swap3A_209, %swap3A_210], %gather3A_208 {strides = array<i32>} : memref<16x100xf32, #tpu.memory_space<vmem>>, vector<16xf32>,
        %gather3A_212 = tpu.vector_load_idx %arg6[%broadcast_in_dim3A, %get3A_9] : memref<16x1000xf32, #tpu.memory_space<vmem>>[vector<16xi32>, vector<16xi32>], vector<16xf32>,
        %swap3A_213 = arith.index_cast %scan3A_201 : i32 to index
        %swap3A_214 = arith.constant 48 : index
        %swap3A_215 = tpu.vector_load %arg10[%swap3A_213, %swap3A_214] {strides = array<i32>} : memref<16x100xf32, #tpu.memory_space<vmem>>, vector<16xf32>,
        tpu.vector_store %arg10[%swap3A_213, %swap3A_214], %gather3A_212 {strides = array<i32>} : memref<16x100xf32, #tpu.memory_space<vmem>>, vector<16xf32>,
        %gather3A_216 = tpu.vector_load_idx %arg6[%broadcast_in_dim3A, %get3A_11] : memref<16x1000xf32, #tpu.memory_space<vmem>>[vector<16xi32>, vector<16xi32>], vector<16xf32>,
        %swap3A_217 = arith.index_cast %scan3A_201 : i32 to index
        %swap3A_218 = arith.constant 64 : index
        %swap3A_219 = tpu.vector_load %arg10[%swap3A_217, %swap3A_218] {strides = array<i32>} : memref<16x100xf32, #tpu.memory_space<vmem>>, vector<16xf32>,
        tpu.vector_store %arg10[%swap3A_217, %swap3A_218], %gather3A_216 {strides = array<i32>} : memref<16x100xf32, #tpu.memory_space<vmem>>, vector<16xf32>,
        %gather3A_220 = tpu.vector_load_idx %arg6[%broadcast_in_dim3A, %get3A_13] : memref<16x1000xf32, #tpu.memory_space<vmem>>[vector<16xi32>, vector<16xi32>], vector<16xf32>,
        %swap3A_221 = arith.index_cast %scan3A_201 : i32 to index
        %swap3A_222 = arith.constant 80 : index
        %swap3A_223 = tpu.vector_load %arg10[%swap3A_221, %swap3A_222] {strides = array<i32>} : memref<16x100xf32, #tpu.memory_space<vmem>>, vector<16xf32>,
        tpu.vector_store %arg10[%swap3A_221, %swap3A_222], %gather3A_220 {strides = array<i32>} : memref<16x100xf32, #tpu.memory_space<vmem>>, vector<16xf32>,
        %gather3A_224 = tpu.vector_load_idx %arg6[%broadcast_in_dim3A, %get3A_15] : memref<16x1000xf32, #tpu.memory_space<vmem>>[vector<16xi32>, vector<16xi32>], vector<16xf32>,
        %swap3A_225 = arith.index_cast %scan3A_201 : i32 to index
        %swap3A_226 = arith.constant 84 : index
        %swap3A_227 = tpu.vector_load %arg10[%swap3A_225, %swap3A_226] {strides = array<i32>} : memref<16x100xf32, #tpu.memory_space<vmem>>, vector<16xf32>,
        tpu.vector_store %arg10[%swap3A_225, %swap3A_226], %gather3A_224 {strides = array<i32>} : memref<16x100xf32, #tpu.memory_space<vmem>>, vector<16xf32>,
      }
      %scan3A_85 = arith.constant 16 : i32
      %barrier3A = arith.constant 0 : index
      tpu.barrier barrier_id(%barrier3A)
      %mul3A_86 = arith.constant 16 : i32
      %mul3A_87 = arith.muli %add3A_71, %mul3A_86 : i32
      %add3A_88 = arith.addi %mul3A_2, %mul3A_87 : i32
      %dma_start3A_89 = arith.constant 0 : i32
      %dma_start3A_90 = tpu.memref_slice %arg4[%add3A_88, %dma_start3A_89] : memref<16384x100xf32, #tpu.memory_space<hbm>> -> memref<16x100xf32, #tpu.memory_space<hbm>>
      %dma_start3A_91 = arith.constant 0 : i32
      %dma_start3A_92 = tpu.memref_slice %arg4[%add3A_88, %dma_start3A_91] : memref<16384x100xf32, #tpu.memory_space<hbm>> -> memref<16x100xf32, #tpu.memory_space<hbm>>
      tpu.enqueue_dma source(%arg10 : memref<16x100xf32, #tpu.memory_space<vmem>>) target(%dma_start3A_92 : memref<16x100xf32, #tpu.memory_space<hbm>>) target_semaphore(%arg18 : memref<!tpu.dma_semaphore, #tpu.memory_space<semaphore_mem>>)
      %add3A_93 = arith.constant 4 : i32
      %add3A_94 = arith.addi %add3A_71, %add3A_93 : i32
      %lt3A = arith.constant 32 : i32
      %lt3A_95 = arith.cmpi slt, %add3A_94, %lt3A : i32
      %convert_element_type3A_96 = arith.extui %lt3A_95 : i1 to i32
      %cond3A_97 = arith.constant 0 : i32
      %cond3A_98 = arith.cmpi ne, %convert_element_type3A_96, %cond3A_97 : i32
      scf.if %cond3A_98 {
        %add3A_201 = arith.constant 4 : i32
        %add3A_202 = arith.addi %add3A_71, %add3A_201 : i32
        %mul3A_203 = arith.constant 16 : i32
        %mul3A_204 = arith.muli %add3A_202, %mul3A_203 : i32
        %add3A_205 = arith.addi %mul3A_2, %mul3A_204 : i32
        %dma_start3A_206 = arith.constant 0 : i32
        %dma_start3A_207 = tpu.memref_slice %arg2[%add3A_205, %dma_start3A_206] : memref<16384x1000xf32, #tpu.memory_space<hbm>> -> memref<16x1000xf32, #tpu.memory_space<hbm>>
        %dma_start3A_208 = arith.constant 0 : i32
        %dma_start3A_209 = tpu.memref_slice %arg2[%add3A_205, %dma_start3A_208] : memref<16384x1000xf32, #tpu.memory_space<hbm>> -> memref<16x1000xf32, #tpu.memory_space<hbm>>
        tpu.enqueue_dma source(%dma_start3A_209 : memref<16x1000xf32, #tpu.memory_space<hbm>>) target(%arg6 : memref<16x1000xf32, #tpu.memory_space<vmem>>) target_semaphore(%arg14 : memref<!tpu.dma_semaphore, #tpu.memory_space<semaphore_mem>>)
      } else {
      }
      %add3A_99 = arith.constant 1 : i32
      %add3A_100 = arith.addi %mul3A_69, %add3A_99 : i32
      %dma_wait3A_101 = arith.constant 0 : i32
      %dma_wait3A_102 = arith.constant 0 : i32
      %dma_wait3A_103 = tpu.memref_slice %arg2[%dma_wait3A_101, %dma_wait3A_102] : memref<16384x1000xf32, #tpu.memory_space<hbm>> -> memref<16x1000xf32, #tpu.memory_space<hbm>>
      %dma_wait3A_104 = arith.constant 0 : i32
      %dma_wait3A_105 = arith.constant 0 : i32
      %dma_wait3A_106 = tpu.memref_slice %arg2[%dma_wait3A_104, %dma_wait3A_105] : memref<16384x1000xf32, #tpu.memory_space<hbm>> -> memref<16x1000xf32, #tpu.memory_space<hbm>>
      tpu.wait_dma2 semaphore(%arg15 : memref<!tpu.dma_semaphore, #tpu.memory_space<semaphore_mem>>) src(%dma_wait3A_106 : memref<16x1000xf32, #tpu.memory_space<hbm>>) dst(%arg7 : memref<16x1000xf32, #tpu.memory_space<vmem>>)
      %ge3A_107 = arith.constant 4 : i32
      %ge3A_108 = arith.cmpi sge, %add3A_100, %ge3A_107 : i32
      %convert_element_type3A_109 = arith.extui %ge3A_108 : i1 to i32
      %cond3A_110 = arith.constant 0 : i32
      %cond3A_111 = arith.cmpi ne, %convert_element_type3A_109, %cond3A_110 : i32
      scf.if %cond3A_111 {
        %dma_wait3A_201 = arith.constant 0 : i32
        %dma_wait3A_202 = arith.constant 0 : i32
        %dma_wait3A_203 = tpu.memref_slice %arg4[%dma_wait3A_201, %dma_wait3A_202] : memref<16384x100xf32, #tpu.memory_space<hbm>> -> memref<16x100xf32, #tpu.memory_space<hbm>>
        %dma_wait3A_204 = arith.constant 0 : i32
        %dma_wait3A_205 = arith.constant 0 : i32
        %dma_wait3A_206 = tpu.memref_slice %arg4[%dma_wait3A_204, %dma_wait3A_205] : memref<16384x100xf32, #tpu.memory_space<hbm>> -> memref<16x100xf32, #tpu.memory_space<hbm>>
        tpu.wait_dma2 semaphore(%arg19 : memref<!tpu.dma_semaphore, #tpu.memory_space<semaphore_mem>>) src(%arg11 : memref<16x100xf32, #tpu.memory_space<vmem>>) dst(%dma_wait3A_206 : memref<16x100xf32, #tpu.memory_space<hbm>>)
      } else {
      }
      %scan3A_112 = arith.constant 0 : i32
      %scan3A_113 = arith.constant 0 : i32
      %scan3A_114 = arith.constant 16 : i32
      %scan3A_115 = arith.addi %scan3A_113, %scan3A_114 : i32
      %scan3A_116 = arith.constant 1 : i32
      scf.for %scan3A_201 = %scan3A_113 to %scan3A_115 step %scan3A_116  : i32 {
        %broadcast_in_dim3A = vector.broadcast %scan3A_201 : i32 to vector<16xi32>
        %gather3A = tpu.vector_load_idx %arg7[%broadcast_in_dim3A, %get3A_3] : memref<16x1000xf32, #tpu.memory_space<vmem>>[vector<16xi32>, vector<16xi32>], vector<16xf32>,
        %swap3A = arith.index_cast %scan3A_201 : i32 to index
        %swap3A_202 = arith.constant 0 : index
        %swap3A_203 = tpu.vector_load %arg11[%swap3A, %swap3A_202] {strides = array<i32>} : memref<16x100xf32, #tpu.memory_space<vmem>>, vector<16xf32>,
        tpu.vector_store %arg11[%swap3A, %swap3A_202], %gather3A {strides = array<i32>} : memref<16x100xf32, #tpu.memory_space<vmem>>, vector<16xf32>,
        %gather3A_204 = tpu.vector_load_idx %arg7[%broadcast_in_dim3A, %get3A_5] : memref<16x1000xf32, #tpu.memory_space<vmem>>[vector<16xi32>, vector<16xi32>], vector<16xf32>,
        %swap3A_205 = arith.index_cast %scan3A_201 : i32 to index
        %swap3A_206 = arith.constant 16 : index
        %swap3A_207 = tpu.vector_load %arg11[%swap3A_205, %swap3A_206] {strides = array<i32>} : memref<16x100xf32, #tpu.memory_space<vmem>>, vector<16xf32>,
        tpu.vector_store %arg11[%swap3A_205, %swap3A_206], %gather3A_204 {strides = array<i32>} : memref<16x100xf32, #tpu.memory_space<vmem>>, vector<16xf32>,
        %gather3A_208 = tpu.vector_load_idx %arg7[%broadcast_in_dim3A, %get3A_7] : memref<16x1000xf32, #tpu.memory_space<vmem>>[vector<16xi32>, vector<16xi32>], vector<16xf32>,
        %swap3A_209 = arith.index_cast %scan3A_201 : i32 to index
        %swap3A_210 = arith.constant 32 : index
        %swap3A_211 = tpu.vector_load %arg11[%swap3A_209, %swap3A_210] {strides = array<i32>} : memref<16x100xf32, #tpu.memory_space<vmem>>, vector<16xf32>,
        tpu.vector_store %arg11[%swap3A_209, %swap3A_210], %gather3A_208 {strides = array<i32>} : memref<16x100xf32, #tpu.memory_space<vmem>>, vector<16xf32>,
        %gather3A_212 = tpu.vector_load_idx %arg7[%broadcast_in_dim3A, %get3A_9] : memref<16x1000xf32, #tpu.memory_space<vmem>>[vector<16xi32>, vector<16xi32>], vector<16xf32>,
        %swap3A_213 = arith.index_cast %scan3A_201 : i32 to index
        %swap3A_214 = arith.constant 48 : index
        %swap3A_215 = tpu.vector_load %arg11[%swap3A_213, %swap3A_214] {strides = array<i32>} : memref<16x100xf32, #tpu.memory_space<vmem>>, vector<16xf32>,
        tpu.vector_store %arg11[%swap3A_213, %swap3A_214], %gather3A_212 {strides = array<i32>} : memref<16x100xf32, #tpu.memory_space<vmem>>, vector<16xf32>,
        %gather3A_216 = tpu.vector_load_idx %arg7[%broadcast_in_dim3A, %get3A_11] : memref<16x1000xf32, #tpu.memory_space<vmem>>[vector<16xi32>, vector<16xi32>], vector<16xf32>,
        %swap3A_217 = arith.index_cast %scan3A_201 : i32 to index
        %swap3A_218 = arith.constant 64 : index
        %swap3A_219 = tpu.vector_load %arg11[%swap3A_217, %swap3A_218] {strides = array<i32>} : memref<16x100xf32, #tpu.memory_space<vmem>>, vector<16xf32>,
        tpu.vector_store %arg11[%swap3A_217, %swap3A_218], %gather3A_216 {strides = array<i32>} : memref<16x100xf32, #tpu.memory_space<vmem>>, vector<16xf32>,
        %gather3A_220 = tpu.vector_load_idx %arg7[%broadcast_in_dim3A, %get3A_13] : memref<16x1000xf32, #tpu.memory_space<vmem>>[vector<16xi32>, vector<16xi32>], vector<16xf32>,
        %swap3A_221 = arith.index_cast %scan3A_201 : i32 to index
        %swap3A_222 = arith.constant 80 : index
        %swap3A_223 = tpu.vector_load %arg11[%swap3A_221, %swap3A_222] {strides = array<i32>} : memref<16x100xf32, #tpu.memory_space<vmem>>, vector<16xf32>,
        tpu.vector_store %arg11[%swap3A_221, %swap3A_222], %gather3A_220 {strides = array<i32>} : memref<16x100xf32, #tpu.memory_space<vmem>>, vector<16xf32>,
        %gather3A_224 = tpu.vector_load_idx %arg7[%broadcast_in_dim3A, %get3A_15] : memref<16x1000xf32, #tpu.memory_space<vmem>>[vector<16xi32>, vector<16xi32>], vector<16xf32>,
        %swap3A_225 = arith.index_cast %scan3A_201 : i32 to index
        %swap3A_226 = arith.constant 84 : index
        %swap3A_227 = tpu.vector_load %arg11[%swap3A_225, %swap3A_226] {strides = array<i32>} : memref<16x100xf32, #tpu.memory_space<vmem>>, vector<16xf32>,
        tpu.vector_store %arg11[%swap3A_225, %swap3A_226], %gather3A_224 {strides = array<i32>} : memref<16x100xf32, #tpu.memory_space<vmem>>, vector<16xf32>,
      }
      %scan3A_117 = arith.constant 16 : i32
      %barrier3A_118 = arith.constant 0 : index
      tpu.barrier barrier_id(%barrier3A_118)
      %mul3A_119 = arith.constant 16 : i32
      %mul3A_120 = arith.muli %add3A_100, %mul3A_119 : i32
      %add3A_121 = arith.addi %mul3A_2, %mul3A_120 : i32
      %dma_start3A_122 = arith.constant 0 : i32
      %dma_start3A_123 = tpu.memref_slice %arg4[%add3A_121, %dma_start3A_122] : memref<16384x100xf32, #tpu.memory_space<hbm>> -> memref<16x100xf32, #tpu.memory_space<hbm>>
      %dma_start3A_124 = arith.constant 0 : i32
      %dma_start3A_125 = tpu.memref_slice %arg4[%add3A_121, %dma_start3A_124] : memref<16384x100xf32, #tpu.memory_space<hbm>> -> memref<16x100xf32, #tpu.memory_space<hbm>>
      tpu.enqueue_dma source(%arg11 : memref<16x100xf32, #tpu.memory_space<vmem>>) target(%dma_start3A_125 : memref<16x100xf32, #tpu.memory_space<hbm>>) target_semaphore(%arg19 : memref<!tpu.dma_semaphore, #tpu.memory_space<semaphore_mem>>)
      %add3A_126 = arith.constant 4 : i32
      %add3A_127 = arith.addi %add3A_100, %add3A_126 : i32
      %lt3A_128 = arith.constant 32 : i32
      %lt3A_129 = arith.cmpi slt, %add3A_127, %lt3A_128 : i32
      %convert_element_type3A_130 = arith.extui %lt3A_129 : i1 to i32
      %cond3A_131 = arith.constant 0 : i32
      %cond3A_132 = arith.cmpi ne, %convert_element_type3A_130, %cond3A_131 : i32
      scf.if %cond3A_132 {
        %add3A_201 = arith.constant 4 : i32
        %add3A_202 = arith.addi %add3A_100, %add3A_201 : i32
        %mul3A_203 = arith.constant 16 : i32
        %mul3A_204 = arith.muli %add3A_202, %mul3A_203 : i32
        %add3A_205 = arith.addi %mul3A_2, %mul3A_204 : i32
        %dma_start3A_206 = arith.constant 0 : i32
        %dma_start3A_207 = tpu.memref_slice %arg2[%add3A_205, %dma_start3A_206] : memref<16384x1000xf32, #tpu.memory_space<hbm>> -> memref<16x1000xf32, #tpu.memory_space<hbm>>
        %dma_start3A_208 = arith.constant 0 : i32
        %dma_start3A_209 = tpu.memref_slice %arg2[%add3A_205, %dma_start3A_208] : memref<16384x1000xf32, #tpu.memory_space<hbm>> -> memref<16x1000xf32, #tpu.memory_space<hbm>>
        tpu.enqueue_dma source(%dma_start3A_209 : memref<16x1000xf32, #tpu.memory_space<hbm>>) target(%arg7 : memref<16x1000xf32, #tpu.memory_space<vmem>>) target_semaphore(%arg15 : memref<!tpu.dma_semaphore, #tpu.memory_space<semaphore_mem>>)
      } else {
      }
      %add3A_133 = arith.constant 2 : i32
      %add3A_134 = arith.addi %mul3A_69, %add3A_133 : i32
      %dma_wait3A_135 = arith.constant 0 : i32
      %dma_wait3A_136 = arith.constant 0 : i32
      %dma_wait3A_137 = tpu.memref_slice %arg2[%dma_wait3A_135, %dma_wait3A_136] : memref<16384x1000xf32, #tpu.memory_space<hbm>> -> memref<16x1000xf32, #tpu.memory_space<hbm>>
      %dma_wait3A_138 = arith.constant 0 : i32
      %dma_wait3A_139 = arith.constant 0 : i32
      %dma_wait3A_140 = tpu.memref_slice %arg2[%dma_wait3A_138, %dma_wait3A_139] : memref<16384x1000xf32, #tpu.memory_space<hbm>> -> memref<16x1000xf32, #tpu.memory_space<hbm>>
      tpu.wait_dma2 semaphore(%arg16 : memref<!tpu.dma_semaphore, #tpu.memory_space<semaphore_mem>>) src(%dma_wait3A_140 : memref<16x1000xf32, #tpu.memory_space<hbm>>) dst(%arg8 : memref<16x1000xf32, #tpu.memory_space<vmem>>)
      %ge3A_141 = arith.constant 4 : i32
      %ge3A_142 = arith.cmpi sge, %add3A_134, %ge3A_141 : i32
      %convert_element_type3A_143 = arith.extui %ge3A_142 : i1 to i32
      %cond3A_144 = arith.constant 0 : i32
      %cond3A_145 = arith.cmpi ne, %convert_element_type3A_143, %cond3A_144 : i32
      scf.if %cond3A_145 {
        %dma_wait3A_201 = arith.constant 0 : i32
        %dma_wait3A_202 = arith.constant 0 : i32
        %dma_wait3A_203 = tpu.memref_slice %arg4[%dma_wait3A_201, %dma_wait3A_202] : memref<16384x100xf32, #tpu.memory_space<hbm>> -> memref<16x100xf32, #tpu.memory_space<hbm>>
        %dma_wait3A_204 = arith.constant 0 : i32
        %dma_wait3A_205 = arith.constant 0 : i32
        %dma_wait3A_206 = tpu.memref_slice %arg4[%dma_wait3A_204, %dma_wait3A_205] : memref<16384x100xf32, #tpu.memory_space<hbm>> -> memref<16x100xf32, #tpu.memory_space<hbm>>
        tpu.wait_dma2 semaphore(%arg20 : memref<!tpu.dma_semaphore, #tpu.memory_space<semaphore_mem>>) src(%arg12 : memref<16x100xf32, #tpu.memory_space<vmem>>) dst(%dma_wait3A_206 : memref<16x100xf32, #tpu.memory_space<hbm>>)
      } else {
      }
      %scan3A_146 = arith.constant 0 : i32
      %scan3A_147 = arith.constant 0 : i32
      %scan3A_148 = arith.constant 16 : i32
      %scan3A_149 = arith.addi %scan3A_147, %scan3A_148 : i32
      %scan3A_150 = arith.constant 1 : i32
      scf.for %scan3A_201 = %scan3A_147 to %scan3A_149 step %scan3A_150  : i32 {
        %broadcast_in_dim3A = vector.broadcast %scan3A_201 : i32 to vector<16xi32>
        %gather3A = tpu.vector_load_idx %arg8[%broadcast_in_dim3A, %get3A_3] : memref<16x1000xf32, #tpu.memory_space<vmem>>[vector<16xi32>, vector<16xi32>], vector<16xf32>,
        %swap3A = arith.index_cast %scan3A_201 : i32 to index
        %swap3A_202 = arith.constant 0 : index
        %swap3A_203 = tpu.vector_load %arg12[%swap3A, %swap3A_202] {strides = array<i32>} : memref<16x100xf32, #tpu.memory_space<vmem>>, vector<16xf32>,
        tpu.vector_store %arg12[%swap3A, %swap3A_202], %gather3A {strides = array<i32>} : memref<16x100xf32, #tpu.memory_space<vmem>>, vector<16xf32>,
        %gather3A_204 = tpu.vector_load_idx %arg8[%broadcast_in_dim3A, %get3A_5] : memref<16x1000xf32, #tpu.memory_space<vmem>>[vector<16xi32>, vector<16xi32>], vector<16xf32>,
        %swap3A_205 = arith.index_cast %scan3A_201 : i32 to index
        %swap3A_206 = arith.constant 16 : index
        %swap3A_207 = tpu.vector_load %arg12[%swap3A_205, %swap3A_206] {strides = array<i32>} : memref<16x100xf32, #tpu.memory_space<vmem>>, vector<16xf32>,
        tpu.vector_store %arg12[%swap3A_205, %swap3A_206], %gather3A_204 {strides = array<i32>} : memref<16x100xf32, #tpu.memory_space<vmem>>, vector<16xf32>,
        %gather3A_208 = tpu.vector_load_idx %arg8[%broadcast_in_dim3A, %get3A_7] : memref<16x1000xf32, #tpu.memory_space<vmem>>[vector<16xi32>, vector<16xi32>], vector<16xf32>,
        %swap3A_209 = arith.index_cast %scan3A_201 : i32 to index
        %swap3A_210 = arith.constant 32 : index
        %swap3A_211 = tpu.vector_load %arg12[%swap3A_209, %swap3A_210] {strides = array<i32>} : memref<16x100xf32, #tpu.memory_space<vmem>>, vector<16xf32>,
        tpu.vector_store %arg12[%swap3A_209, %swap3A_210], %gather3A_208 {strides = array<i32>} : memref<16x100xf32, #tpu.memory_space<vmem>>, vector<16xf32>,
        %gather3A_212 = tpu.vector_load_idx %arg8[%broadcast_in_dim3A, %get3A_9] : memref<16x1000xf32, #tpu.memory_space<vmem>>[vector<16xi32>, vector<16xi32>], vector<16xf32>,
        %swap3A_213 = arith.index_cast %scan3A_201 : i32 to index
        %swap3A_214 = arith.constant 48 : index
        %swap3A_215 = tpu.vector_load %arg12[%swap3A_213, %swap3A_214] {strides = array<i32>} : memref<16x100xf32, #tpu.memory_space<vmem>>, vector<16xf32>,
        tpu.vector_store %arg12[%swap3A_213, %swap3A_214], %gather3A_212 {strides = array<i32>} : memref<16x100xf32, #tpu.memory_space<vmem>>, vector<16xf32>,
        %gather3A_216 = tpu.vector_load_idx %arg8[%broadcast_in_dim3A, %get3A_11] : memref<16x1000xf32, #tpu.memory_space<vmem>>[vector<16xi32>, vector<16xi32>], vector<16xf32>,
        %swap3A_217 = arith.index_cast %scan3A_201 : i32 to index
        %swap3A_218 = arith.constant 64 : index
        %swap3A_219 = tpu.vector_load %arg12[%swap3A_217, %swap3A_218] {strides = array<i32>} : memref<16x100xf32, #tpu.memory_space<vmem>>, vector<16xf32>,
        tpu.vector_store %arg12[%swap3A_217, %swap3A_218], %gather3A_216 {strides = array<i32>} : memref<16x100xf32, #tpu.memory_space<vmem>>, vector<16xf32>,
        %gather3A_220 = tpu.vector_load_idx %arg8[%broadcast_in_dim3A, %get3A_13] : memref<16x1000xf32, #tpu.memory_space<vmem>>[vector<16xi32>, vector<16xi32>], vector<16xf32>,
        %swap3A_221 = arith.index_cast %scan3A_201 : i32 to index
        %swap3A_222 = arith.constant 80 : index
        %swap3A_223 = tpu.vector_load %arg12[%swap3A_221, %swap3A_222] {strides = array<i32>} : memref<16x100xf32, #tpu.memory_space<vmem>>, vector<16xf32>,
        tpu.vector_store %arg12[%swap3A_221, %swap3A_222], %gather3A_220 {strides = array<i32>} : memref<16x100xf32, #tpu.memory_space<vmem>>, vector<16xf32>,
        %gather3A_224 = tpu.vector_load_idx %arg8[%broadcast_in_dim3A, %get3A_15] : memref<16x1000xf32, #tpu.memory_space<vmem>>[vector<16xi32>, vector<16xi32>], vector<16xf32>,
        %swap3A_225 = arith.index_cast %scan3A_201 : i32 to index
        %swap3A_226 = arith.constant 84 : index
        %swap3A_227 = tpu.vector_load %arg12[%swap3A_225, %swap3A_226] {strides = array<i32>} : memref<16x100xf32, #tpu.memory_space<vmem>>, vector<16xf32>,
        tpu.vector_store %arg12[%swap3A_225, %swap3A_226], %gather3A_224 {strides = array<i32>} : memref<16x100xf32, #tpu.memory_space<vmem>>, vector<16xf32>,
      }
      %scan3A_151 = arith.constant 16 : i32
      %barrier3A_152 = arith.constant 0 : index
      tpu.barrier barrier_id(%barrier3A_152)
      %mul3A_153 = arith.constant 16 : i32
      %mul3A_154 = arith.muli %add3A_134, %mul3A_153 : i32
      %add3A_155 = arith.addi %mul3A_2, %mul3A_154 : i32
      %dma_start3A_156 = arith.constant 0 : i32
      %dma_start3A_157 = tpu.memref_slice %arg4[%add3A_155, %dma_start3A_156] : memref<16384x100xf32, #tpu.memory_space<hbm>> -> memref<16x100xf32, #tpu.memory_space<hbm>>
      %dma_start3A_158 = arith.constant 0 : i32
      %dma_start3A_159 = tpu.memref_slice %arg4[%add3A_155, %dma_start3A_158] : memref<16384x100xf32, #tpu.memory_space<hbm>> -> memref<16x100xf32, #tpu.memory_space<hbm>>
      tpu.enqueue_dma source(%arg12 : memref<16x100xf32, #tpu.memory_space<vmem>>) target(%dma_start3A_159 : memref<16x100xf32, #tpu.memory_space<hbm>>) target_semaphore(%arg20 : memref<!tpu.dma_semaphore, #tpu.memory_space<semaphore_mem>>)
      %add3A_160 = arith.constant 4 : i32
      %add3A_161 = arith.addi %add3A_134, %add3A_160 : i32
      %lt3A_162 = arith.constant 32 : i32
      %lt3A_163 = arith.cmpi slt, %add3A_161, %lt3A_162 : i32
      %convert_element_type3A_164 = arith.extui %lt3A_163 : i1 to i32
      %cond3A_165 = arith.constant 0 : i32
      %cond3A_166 = arith.cmpi ne, %convert_element_type3A_164, %cond3A_165 : i32
      scf.if %cond3A_166 {
        %add3A_201 = arith.constant 4 : i32
        %add3A_202 = arith.addi %add3A_134, %add3A_201 : i32
        %mul3A_203 = arith.constant 16 : i32
        %mul3A_204 = arith.muli %add3A_202, %mul3A_203 : i32
        %add3A_205 = arith.addi %mul3A_2, %mul3A_204 : i32
        %dma_start3A_206 = arith.constant 0 : i32
        %dma_start3A_207 = tpu.memref_slice %arg2[%add3A_205, %dma_start3A_206] : memref<16384x1000xf32, #tpu.memory_space<hbm>> -> memref<16x1000xf32, #tpu.memory_space<hbm>>
        %dma_start3A_208 = arith.constant 0 : i32
        %dma_start3A_209 = tpu.memref_slice %arg2[%add3A_205, %dma_start3A_208] : memref<16384x1000xf32, #tpu.memory_space<hbm>> -> memref<16x1000xf32, #tpu.memory_space<hbm>>
        tpu.enqueue_dma source(%dma_start3A_209 : memref<16x1000xf32, #tpu.memory_space<hbm>>) target(%arg8 : memref<16x1000xf32, #tpu.memory_space<vmem>>) target_semaphore(%arg16 : memref<!tpu.dma_semaphore, #tpu.memory_space<semaphore_mem>>)
      } else {
      }
      %add3A_167 = arith.constant 3 : i32
      %add3A_168 = arith.addi %mul3A_69, %add3A_167 : i32
      %dma_wait3A_169 = arith.constant 0 : i32
      %dma_wait3A_170 = arith.constant 0 : i32
      %dma_wait3A_171 = tpu.memref_slice %arg2[%dma_wait3A_169, %dma_wait3A_170] : memref<16384x1000xf32, #tpu.memory_space<hbm>> -> memref<16x1000xf32, #tpu.memory_space<hbm>>
      %dma_wait3A_172 = arith.constant 0 : i32
      %dma_wait3A_173 = arith.constant 0 : i32
      %dma_wait3A_174 = tpu.memref_slice %arg2[%dma_wait3A_172, %dma_wait3A_173] : memref<16384x1000xf32, #tpu.memory_space<hbm>> -> memref<16x1000xf32, #tpu.memory_space<hbm>>
      tpu.wait_dma2 semaphore(%arg17 : memref<!tpu.dma_semaphore, #tpu.memory_space<semaphore_mem>>) src(%dma_wait3A_174 : memref<16x1000xf32, #tpu.memory_space<hbm>>) dst(%arg9 : memref<16x1000xf32, #tpu.memory_space<vmem>>)
      %ge3A_175 = arith.constant 4 : i32
      %ge3A_176 = arith.cmpi sge, %add3A_168, %ge3A_175 : i32
      %convert_element_type3A_177 = arith.extui %ge3A_176 : i1 to i32
      %cond3A_178 = arith.constant 0 : i32
      %cond3A_179 = arith.cmpi ne, %convert_element_type3A_177, %cond3A_178 : i32
      scf.if %cond3A_179 {
        %dma_wait3A_201 = arith.constant 0 : i32
        %dma_wait3A_202 = arith.constant 0 : i32
        %dma_wait3A_203 = tpu.memref_slice %arg4[%dma_wait3A_201, %dma_wait3A_202] : memref<16384x100xf32, #tpu.memory_space<hbm>> -> memref<16x100xf32, #tpu.memory_space<hbm>>
        %dma_wait3A_204 = arith.constant 0 : i32
        %dma_wait3A_205 = arith.constant 0 : i32
        %dma_wait3A_206 = tpu.memref_slice %arg4[%dma_wait3A_204, %dma_wait3A_205] : memref<16384x100xf32, #tpu.memory_space<hbm>> -> memref<16x100xf32, #tpu.memory_space<hbm>>
        tpu.wait_dma2 semaphore(%arg21 : memref<!tpu.dma_semaphore, #tpu.memory_space<semaphore_mem>>) src(%arg13 : memref<16x100xf32, #tpu.memory_space<vmem>>) dst(%dma_wait3A_206 : memref<16x100xf32, #tpu.memory_space<hbm>>)
      } else {
      }
      %scan3A_180 = arith.constant 0 : i32
      %scan3A_181 = arith.constant 0 : i32
      %scan3A_182 = arith.constant 16 : i32
      %scan3A_183 = arith.addi %scan3A_181, %scan3A_182 : i32
      %scan3A_184 = arith.constant 1 : i32
      scf.for %scan3A_201 = %scan3A_181 to %scan3A_183 step %scan3A_184  : i32 {
        %broadcast_in_dim3A = vector.broadcast %scan3A_201 : i32 to vector<16xi32>
        %gather3A = tpu.vector_load_idx %arg9[%broadcast_in_dim3A, %get3A_3] : memref<16x1000xf32, #tpu.memory_space<vmem>>[vector<16xi32>, vector<16xi32>], vector<16xf32>,
        %swap3A = arith.index_cast %scan3A_201 : i32 to index
        %swap3A_202 = arith.constant 0 : index
        %swap3A_203 = tpu.vector_load %arg13[%swap3A, %swap3A_202] {strides = array<i32>} : memref<16x100xf32, #tpu.memory_space<vmem>>, vector<16xf32>,
        tpu.vector_store %arg13[%swap3A, %swap3A_202], %gather3A {strides = array<i32>} : memref<16x100xf32, #tpu.memory_space<vmem>>, vector<16xf32>,
        %gather3A_204 = tpu.vector_load_idx %arg9[%broadcast_in_dim3A, %get3A_5] : memref<16x1000xf32, #tpu.memory_space<vmem>>[vector<16xi32>, vector<16xi32>], vector<16xf32>,
        %swap3A_205 = arith.index_cast %scan3A_201 : i32 to index
        %swap3A_206 = arith.constant 16 : index
        %swap3A_207 = tpu.vector_load %arg13[%swap3A_205, %swap3A_206] {strides = array<i32>} : memref<16x100xf32, #tpu.memory_space<vmem>>, vector<16xf32>,
        tpu.vector_store %arg13[%swap3A_205, %swap3A_206], %gather3A_204 {strides = array<i32>} : memref<16x100xf32, #tpu.memory_space<vmem>>, vector<16xf32>,
        %gather3A_208 = tpu.vector_load_idx %arg9[%broadcast_in_dim3A, %get3A_7] : memref<16x1000xf32, #tpu.memory_space<vmem>>[vector<16xi32>, vector<16xi32>], vector<16xf32>,
        %swap3A_209 = arith.index_cast %scan3A_201 : i32 to index
        %swap3A_210 = arith.constant 32 : index
        %swap3A_211 = tpu.vector_load %arg13[%swap3A_209, %swap3A_210] {strides = array<i32>} : memref<16x100xf32, #tpu.memory_space<vmem>>, vector<16xf32>,
        tpu.vector_store %arg13[%swap3A_209, %swap3A_210], %gather3A_208 {strides = array<i32>} : memref<16x100xf32, #tpu.memory_space<vmem>>, vector<16xf32>,
        %gather3A_212 = tpu.vector_load_idx %arg9[%broadcast_in_dim3A, %get3A_9] : memref<16x1000xf32, #tpu.memory_space<vmem>>[vector<16xi32>, vector<16xi32>], vector<16xf32>,
        %swap3A_213 = arith.index_cast %scan3A_201 : i32 to index
        %swap3A_214 = arith.constant 48 : index
        %swap3A_215 = tpu.vector_load %arg13[%swap3A_213, %swap3A_214] {strides = array<i32>} : memref<16x100xf32, #tpu.memory_space<vmem>>, vector<16xf32>,
        tpu.vector_store %arg13[%swap3A_213, %swap3A_214], %gather3A_212 {strides = array<i32>} : memref<16x100xf32, #tpu.memory_space<vmem>>, vector<16xf32>,
        %gather3A_216 = tpu.vector_load_idx %arg9[%broadcast_in_dim3A, %get3A_11] : memref<16x1000xf32, #tpu.memory_space<vmem>>[vector<16xi32>, vector<16xi32>], vector<16xf32>,
        %swap3A_217 = arith.index_cast %scan3A_201 : i32 to index
        %swap3A_218 = arith.constant 64 : index
        %swap3A_219 = tpu.vector_load %arg13[%swap3A_217, %swap3A_218] {strides = array<i32>} : memref<16x100xf32, #tpu.memory_space<vmem>>, vector<16xf32>,
        tpu.vector_store %arg13[%swap3A_217, %swap3A_218], %gather3A_216 {strides = array<i32>} : memref<16x100xf32, #tpu.memory_space<vmem>>, vector<16xf32>,
        %gather3A_220 = tpu.vector_load_idx %arg9[%broadcast_in_dim3A, %get3A_13] : memref<16x1000xf32, #tpu.memory_space<vmem>>[vector<16xi32>, vector<16xi32>], vector<16xf32>,
        %swap3A_221 = arith.index_cast %scan3A_201 : i32 to index
        %swap3A_222 = arith.constant 80 : index
        %swap3A_223 = tpu.vector_load %arg13[%swap3A_221, %swap3A_222] {strides = array<i32>} : memref<16x100xf32, #tpu.memory_space<vmem>>, vector<16xf32>,
        tpu.vector_store %arg13[%swap3A_221, %swap3A_222], %gather3A_220 {strides = array<i32>} : memref<16x100xf32, #tpu.memory_space<vmem>>, vector<16xf32>,
        %gather3A_224 = tpu.vector_load_idx %arg9[%broadcast_in_dim3A, %get3A_15] : memref<16x1000xf32, #tpu.memory_space<vmem>>[vector<16xi32>, vector<16xi32>], vector<16xf32>,
        %swap3A_225 = arith.index_cast %scan3A_201 : i32 to index
        %swap3A_226 = arith.constant 84 : index
        %swap3A_227 = tpu.vector_load %arg13[%swap3A_225, %swap3A_226] {strides = array<i32>} : memref<16x100xf32, #tpu.memory_space<vmem>>, vector<16xf32>,
        tpu.vector_store %arg13[%swap3A_225, %swap3A_226], %gather3A_224 {strides = array<i32>} : memref<16x100xf32, #tpu.memory_space<vmem>>, vector<16xf32>,
      }
      %scan3A_185 = arith.constant 16 : i32
      %barrier3A_186 = arith.constant 0 : index
      tpu.barrier barrier_id(%barrier3A_186)
      %mul3A_187 = arith.constant 16 : i32
      %mul3A_188 = arith.muli %add3A_168, %mul3A_187 : i32
      %add3A_189 = arith.addi %mul3A_2, %mul3A_188 : i32
      %dma_start3A_190 = arith.constant 0 : i32
      %dma_start3A_191 = tpu.memref_slice %arg4[%add3A_189, %dma_start3A_190] : memref<16384x100xf32, #tpu.memory_space<hbm>> -> memref<16x100xf32, #tpu.memory_space<hbm>>
      %dma_start3A_192 = arith.constant 0 : i32
      %dma_start3A_193 = tpu.memref_slice %arg4[%add3A_189, %dma_start3A_192] : memref<16384x100xf32, #tpu.memory_space<hbm>> -> memref<16x100xf32, #tpu.memory_space<hbm>>
      tpu.enqueue_dma source(%arg13 : memref<16x100xf32, #tpu.memory_space<vmem>>) target(%dma_start3A_193 : memref<16x100xf32, #tpu.memory_space<hbm>>) target_semaphore(%arg21 : memref<!tpu.dma_semaphore, #tpu.memory_space<semaphore_mem>>)
      %add3A_194 = arith.constant 4 : i32
      %add3A_195 = arith.addi %add3A_168, %add3A_194 : i32
      %lt3A_196 = arith.constant 32 : i32
      %lt3A_197 = arith.cmpi slt, %add3A_195, %lt3A_196 : i32
      %convert_element_type3A_198 = arith.extui %lt3A_197 : i1 to i32
      %cond3A_199 = arith.constant 0 : i32
      %cond3A_200 = arith.cmpi ne, %convert_element_type3A_198, %cond3A_199 : i32
      scf.if %cond3A_200 {
        %add3A_201 = arith.constant 4 : i32
        %add3A_202 = arith.addi %add3A_168, %add3A_201 : i32
        %mul3A_203 = arith.constant 16 : i32
        %mul3A_204 = arith.muli %add3A_202, %mul3A_203 : i32
        %add3A_205 = arith.addi %mul3A_2, %mul3A_204 : i32
        %dma_start3A_206 = arith.constant 0 : i32
        %dma_start3A_207 = tpu.memref_slice %arg2[%add3A_205, %dma_start3A_206] : memref<16384x1000xf32, #tpu.memory_space<hbm>> -> memref<16x1000xf32, #tpu.memory_space<hbm>>
        %dma_start3A_208 = arith.constant 0 : i32
        %dma_start3A_209 = tpu.memref_slice %arg2[%add3A_205, %dma_start3A_208] : memref<16384x1000xf32, #tpu.memory_space<hbm>> -> memref<16x1000xf32, #tpu.memory_space<hbm>>
        tpu.enqueue_dma source(%dma_start3A_209 : memref<16x1000xf32, #tpu.memory_space<hbm>>) target(%arg9 : memref<16x1000xf32, #tpu.memory_space<vmem>>) target_semaphore(%arg17 : memref<!tpu.dma_semaphore, #tpu.memory_space<semaphore_mem>>)
      } else {
      }
    }
    %scan3A_43 = arith.constant 8 : i32
    %dma_wait3A = arith.constant 0 : i32
    %dma_wait3A_44 = arith.constant 0 : i32
    %dma_wait3A_45 = tpu.memref_slice %arg4[%dma_wait3A, %dma_wait3A_44] : memref<16384x100xf32, #tpu.memory_space<hbm>> -> memref<16x100xf32, #tpu.memory_space<hbm>>
    %dma_wait3A_46 = arith.constant 0 : i32
    %dma_wait3A_47 = arith.constant 0 : i32
    %dma_wait3A_48 = tpu.memref_slice %arg4[%dma_wait3A_46, %dma_wait3A_47] : memref<16384x100xf32, #tpu.memory_space<hbm>> -> memref<16x100xf32, #tpu.memory_space<hbm>>
    tpu.wait_dma2 semaphore(%arg18 : memref<!tpu.dma_semaphore, #tpu.memory_space<semaphore_mem>>) src(%arg10 : memref<16x100xf32, #tpu.memory_space<vmem>>) dst(%dma_wait3A_48 : memref<16x100xf32, #tpu.memory_space<hbm>>)
    %dma_wait3A_49 = arith.constant 0 : i32
    %dma_wait3A_50 = arith.constant 0 : i32
    %dma_wait3A_51 = tpu.memref_slice %arg4[%dma_wait3A_49, %dma_wait3A_50] : memref<16384x100xf32, #tpu.memory_space<hbm>> -> memref<16x100xf32, #tpu.memory_space<hbm>>
    %dma_wait3A_52 = arith.constant 0 : i32
    %dma_wait3A_53 = arith.constant 0 : i32
    %dma_wait3A_54 = tpu.memref_slice %arg4[%dma_wait3A_52, %dma_wait3A_53] : memref<16384x100xf32, #tpu.memory_space<hbm>> -> memref<16x100xf32, #tpu.memory_space<hbm>>
    tpu.wait_dma2 semaphore(%arg19 : memref<!tpu.dma_semaphore, #tpu.memory_space<semaphore_mem>>) src(%arg11 : memref<16x100xf32, #tpu.memory_space<vmem>>) dst(%dma_wait3A_54 : memref<16x100xf32, #tpu.memory_space<hbm>>)
    %dma_wait3A_55 = arith.constant 0 : i32
    %dma_wait3A_56 = arith.constant 0 : i32
    %dma_wait3A_57 = tpu.memref_slice %arg4[%dma_wait3A_55, %dma_wait3A_56] : memref<16384x100xf32, #tpu.memory_space<hbm>> -> memref<16x100xf32, #tpu.memory_space<hbm>>
    %dma_wait3A_58 = arith.constant 0 : i32
    %dma_wait3A_59 = arith.constant 0 : i32
    %dma_wait3A_60 = tpu.memref_slice %arg4[%dma_wait3A_58, %dma_wait3A_59] : memref<16384x100xf32, #tpu.memory_space<hbm>> -> memref<16x100xf32, #tpu.memory_space<hbm>>
    tpu.wait_dma2 semaphore(%arg20 : memref<!tpu.dma_semaphore, #tpu.memory_space<semaphore_mem>>) src(%arg12 : memref<16x100xf32, #tpu.memory_space<vmem>>) dst(%dma_wait3A_60 : memref<16x100xf32, #tpu.memory_space<hbm>>)
    %dma_wait3A_61 = arith.constant 0 : i32
    %dma_wait3A_62 = arith.constant 0 : i32
    %dma_wait3A_63 = tpu.memref_slice %arg4[%dma_wait3A_61, %dma_wait3A_62] : memref<16384x100xf32, #tpu.memory_space<hbm>> -> memref<16x100xf32, #tpu.memory_space<hbm>>
    %dma_wait3A_64 = arith.constant 0 : i32
    %dma_wait3A_65 = arith.constant 0 : i32
    %dma_wait3A_66 = tpu.memref_slice %arg4[%dma_wait3A_64, %dma_wait3A_65] : memref<16384x100xf32, #tpu.memory_space<hbm>> -> memref<16x100xf32, #tpu.memory_space<hbm>>
    tpu.wait_dma2 semaphore(%arg21 : memref<!tpu.dma_semaphore, #tpu.memory_space<semaphore_mem>>) src(%arg13 : memref<16x100xf32, #tpu.memory_space<vmem>>) dst(%dma_wait3A_66 : memref<16x100xf32, #tpu.memory_space<hbm>>)
    return
  }
}

</mosaic_0001>

<sc_bundles>
// kernel: kernel.3.cloned.1.call-start
scs
__scs_entry_jumppad:
0x0: {  	(pc) =	sbr.rel $0x88, $3  }
0x1: {  	(tag) =	ssettag $0x0;
	lr =	simm.s32 $0x1  }
0x2: {  	[smem:$0x3F9F] =	sst lr;
	_ =	strace $0xD0000000  }
0x3: {  	_ = 	snop  }
0x4: {  	_ = 	snop  }
0x5: {  	_ = 	snop  }
0x6: {  	_ = 	snop  }
0x7: {  	_ = 	snop  }
__scs_overlays_trampoline_lowered:
0x8: {  	[smem:$0x3FAE] =	sst s0  }
0x9: {  	[smem:$0x3FAF] =	sst s1  }
0xa: {  	[smem:$0x3FB0] =	sst s2  }
0xb: {  	[smem:$0x3FB1] =	sst s3  }
0xc: {  	[smem:$0x3FB2] =	sst s4  }
0xd: {  	[smem:$0x3FB3] =	sst s5  }
0xe: {  	[smem:$0x3FB4] =	sst s6  }
0xf: {  	[smem:$0x3FB5] =	sst s7  }
0x10: {  	[smem:$0x3FB6] =	sst s8  }
0x11: {  	[smem:$0x3FB7] =	sst s9;
	s0 =	simm.s32 @!p0 $0x0  }
0x12: {  	s1 =	sld [smem:$0x3F9D];
	s0 =	simm.s32 @p0 $0x1  }
0x13: {  	[smem:$0x3FB8] =	sst s0;
	s0 =	simm.s32 @!p1 $0x0  }
0x14: {  	s2 =	sld [smem:$0x3F9C];
	s0 =	simm.s32 @p1 $0x1  }
0x15: {  	[smem:$0x3FB9] =	sst s0;
	s0 =	simm.s32 @!p2 $0x0  }
0x16: {  	s3 =	sld [smem:$0x3FDB];
	s0 =	simm.s32 @p2 $0x1  }
0x17: {  	s4 =	simm.s32 $0x1BF5;
	[smem:$0x3FBB] =	sst s0  }
0x18: {  	s0 =	sld [smem:$0x3F9E];
	_ =	swait.ge [sflag:s4], $0x0  }
0x19: {  	s7 =	sld [smem:$0x3F9F]  }
0x1a: {  	s8 =	sadd.s32 $0xFFFFE003, lr  }
0x1b: {  	s9 =	sadd.s32 $0xFFFFFEF7, lr;
	s5 =	simm.s32 $0xFFFFFFFF;
	p2 =	slt.u32 s8, $0xFFFFF086  }
0x1c: {  	p1 =	slt.u32 s9, $0xF7A;
	s5 =	simm.s32 @!p2 $0x0  }
0x1d: {  	s5 =	simm.s32 @p1 $0x1;
	p0 =	seq.s32 s7, s2  }
0x1e: {  	s7 =	smul.u32 @!p0 $0xF7A, s2;
	p2 =	seq.s32 @!p0 s5, $0x0  }
0x1f: {  	s9 =	smul.u32 $0xF7A, s1;
	s8 =	simm.s32 @!p0 $0x1BF5;
	p2 =	por !p2, p0  }
0x20: {  	[sflag:s8] =	ssyncset.s32 @!p0 $0xFFFFF086;
	s6 =	sadd.s32 @!p0 s3, s7;
	s7 =	simm.s32 @!p0 $0x108  }
0x21: {  	s3 =	sadd.s32 s3, s9;
	s6 =	sadd.s32 @!p0 $0x88, s6;
	s7 =	simm.s32 @p2 $0x1082  }
0x22: {  	[simem:s7], [sflag:s8] =	dma.local @!p0 [hbm:s6], $0xF7A  }
0x23: {  	s9 =	sor.u32 $0xD0000000, s2;
	s6 =	simm.s32 $0x108;
	_ =	swait.ge @!p0 [sflag:s8], $0x0  }
0x24: {  	s3 =	sadd.s32 $0x88, s3;
	s6 =	simm.s32 @!p1 $0x1082;
	[sflag:s4] =	ssyncset.s32 $0xFFFFF086  }
0x25: {  	[simem:s6], [sflag:s4] =	dma.local [hbm:s3], $0xF7A  }
0x26: {  	[smem:$0x3F9F] =	sst s1;
	(tag) =	ssettag s2;
	_ =	strace s9  }
0x27: {  	s1 =	sld [smem:$0x3FAF]  }
0x28: {  	s2 =	sld [smem:$0x3FB0]  }
0x29: {  	s4 =	sld [smem:$0x3FB2]  }
0x2a: {  	p0 =	seq.s32 s5, $0x0;
	s5 =	sld [smem:$0x3FB3]  }
0x2b: {  	s6 =	sld [smem:$0x3FB4]  }
0x2c: {  	s7 =	sld [smem:$0x3FB5]  }
0x2d: {  	s3 =	simm.s32 $0x108;
	s8 =	sld [smem:$0x3FB6]  }
0x2e: {  	s3 =	simm.s32 @!p0 $0x1082;
	s9 =	sld [smem:$0x3FB7]  }
0x2f: {  	lr =	sadd.s32 s0, s3;
	s0 =	sld [smem:$0x3FAE]  }
0x30: {  	s3 =	sld [smem:$0x3FB1]  }
0x31: {  	[smem:$0x3FBA] =	sst s10  }
0x32: {  	s10 =	sld [smem:$0x3FB8];
	_ =	sdelay $0x3  }
0x33: {  	p0 =	seq.s32 s10, $0x1;
	s10 =	sld [smem:$0x3FBA];
	_ =	sdelay $0x3  }
0x34: {  	[smem:$0x3FBA] =	sst s10  }
0x35: {  	s10 =	sld [smem:$0x3FB9];
	_ =	sdelay $0x3  }
0x36: {  	p1 =	seq.s32 s10, $0x1;
	s10 =	sld [smem:$0x3FBA];
	_ =	sdelay $0x3  }
0x37: {  	[smem:$0x3FBA] =	sst s10  }
0x38: {  	s10 =	sld [smem:$0x3FBB]  }
0x39: {  	_ = 	snop;
	(pc) =	sbr.ind lr, $3  }
0x3a: {  	_ = 	snop  }
0x3b: {  	_ = 	snop  }
0x3c: {  	p2 =	seq.s32 s10, $0x1;
	s10 =	sld [smem:$0x3FBA]  }
0x3d: {  	_ =	shalt  }
0x3e: {  	_ =	shalt  }
0x3f: {  	_ =	shalt  }
0x40: {  	_ =	shalt  }
0x41: {  	_ =	shalt  }
0x42: {  	_ =	shalt  }
0x43: {  	_ =	shalt  }
0x44: {  	_ =	shalt  }
0x45: {  	_ =	shalt  }
0x46: {  	_ =	shalt  }
0x47: {  	_ =	shalt  }
0x48: {  	_ =	shalt  }
0x49: {  	_ =	shalt  }
0x4a: {  	_ =	shalt  }
0x4b: {  	_ =	shalt  }
0x4c: {  	_ =	shalt  }
0x4d: {  	_ =	shalt  }
0x4e: {  	_ =	shalt  }
0x4f: {  	_ =	shalt  }
0x50: {  	_ =	shalt  }
0x51: {  	_ =	shalt  }
0x52: {  	_ =	shalt  }
0x53: {  	_ =	shalt  }
0x54: {  	_ =	shalt  }
0x55: {  	_ =	shalt  }
0x56: {  	_ =	shalt  }
0x57: {  	_ =	shalt  }
0x58: {  	_ =	shalt  }
0x59: {  	_ =	shalt  }
0x5a: {  	_ =	shalt  }
0x5b: {  	_ =	shalt  }
0x5c: {  	_ =	shalt  }
0x5d: {  	_ =	shalt  }
0x5e: {  	_ =	shalt  }
0x5f: {  	_ =	shalt  }
0x60: {  	_ =	shalt  }
0x61: {  	_ =	shalt  }
0x62: {  	_ =	shalt  }
0x63: {  	_ =	shalt  }
0x64: {  	_ =	shalt  }
0x65: {  	_ =	shalt  }
0x66: {  	_ =	shalt  }
0x67: {  	_ =	shalt  }
0x68: {  	_ =	shalt  }
0x69: {  	_ =	shalt  }
0x6a: {  	_ =	shalt  }
0x6b: {  	_ =	shalt  }
0x6c: {  	_ =	shalt  }
0x6d: {  	_ =	shalt  }
0x6e: {  	_ =	shalt  }
0x6f: {  	_ =	shalt  }
0x70: {  	_ =	shalt  }
0x71: {  	_ =	shalt  }
0x72: {  	_ =	shalt  }
0x73: {  	_ =	shalt  }
0x74: {  	_ =	shalt  }
0x75: {  	_ =	shalt  }
0x76: {  	_ =	shalt  }
0x77: {  	_ =	shalt  }
0x78: {  	_ =	shalt  }
0x79: {  	_ =	shalt  }
0x7a: {  	_ =	shalt  }
0x7b: {  	_ =	shalt  }
0x7c: {  	_ =	shalt  }
0x7d: {  	_ =	shalt  }
0x7e: {  	_ =	shalt  }
0x7f: {  	_ =	shalt  }
0x80: {  	_ =	shalt  }
0x81: {  	_ =	shalt  }
0x82: {  	_ =	shalt  }
0x83: {  	_ =	shalt  }
0x84: {  	_ =	shalt  }
0x85: {  	_ =	shalt  }
0x86: {  	_ =	shalt  }
0x87: {  	_ =	shalt  }
.Lfunc_end0:
.L_simem_size_0:
called_computation_lowered:
.L_overlay_start_0:
0x88: {  	s2 =	sld [smem:$0x3FD9]  }
0x89: {  	s3 =	sld [smem:$0x3FFE];
	_ =	sdelay $0x1  }
0x8a: {  	s1 =	srdreg.scid  }
0x8b: {  	s0 =	sand.u32 $0x1, s1  }
0x8c: {  	s17 =	sshll.u32 s0, $0xA;
	s2 =	sadd.s32 s3, s2  }
0x8d: {  	s2 =	sadd.s32 s2, s17  }
0x8e: {  	[smem:$0x3FC6] =	sst s2  }
0x8f: {  	_ = 	snop  }
0x90: {  	s2 =	sld [smem:$0x3FC8];
	(tm) =	ssettm $0x1  }
0x91: {  	s18 =	sld [smem:$0x3FFB];
	_ =	sdelay $0x3  }
0x92: {  	_ =	strace s18  }
0x93: {  	s3 =	sld [smem:$0x3FFC];
	_ =	sdelay $0x3  }
0x94: {  	_ =	strace s3  }
0x95: {  	s3 =	sld [smem:$0x3FFD];
	_ =	sdelay $0x3  }
0x96: {  	_ =	strace s3  }
0x97: {  	_ =	strace $0x8FFFFFFF  }
0x98: {  	s19 =	sld [smem:$0x3FDB];
	_ =	sdelay $0x1  }
0x99: {  	s4 =	simm.s32 $_scs_section_size  }
0x9a: {  	s5 =	simm.s32 $_size__tile_overlayer_lowered;
	s6 =	simm.s32 $_tile_overlayer_lowered  }
0x9b: {  	s22 =	simm.s32 $0x1BFF;
	s21 =	sshll.u32 s6, $0x1;
	s3 =	sadd.s32 s4, s19  }
0x9c: {  	s7 =	simm.s32 $0x0;
	s20 =	sshll.u32 s5, $0x1;
	s5 =	sadd.s32 s21, s3  }
0x9d: {  	[timem:s7], [sflag:s22] =	dma.local [hbm:s5], s20  }
0x9e: {  	_ =	swait.ge [sflag:s22], s20  }
0x9f: {  	s4 =	ssub.s32 $0x0, s20;
	[sflag:s22] =	ssyncset.done $0x0  }
0xa0: {  	[sflag:s22] =	ssyncadd.s32 s4;
	_ =	sdelay $0x1  }
0xa1: {  	s23 =	simm.s32 $0x1B8B  }
0xa2: {  	_ =	swait.ge [sflag:s23], $0x1  }
0xa3: {  	[sflag:s23] =	ssyncset.done $0x0  }
0xa4: {  	s25 =	simm.s32 $0x1B8E;
	s24 =	sld [smem:$0x3FFE];
	[sflag:s23] =	ssyncadd.s32 $0xFFFFFFFF  }
0xa5: {  	s26 =	simm.s32 $execute0_lowered;
	[smem:$0x3FD2] =	sst s25  }
0xa6: {  	s5 =	sshll.u32 s26, $0x1;
	_ =	strace $0x80000046;
	[dreg:$0x1] =	wrdreg $0xFFFFFFFF  }
0xa7: {  	s28 =	simm.s32 $_size_execute0_lowered;
	s3 =	sadd.s32 s3, s5;
	[dreg:$0x0] =	wrdreg $0x0  }
0xa8: {  	s5 =	sshll.u32 s28, $0x1;
	[dreg:$0x2] =	wrdreg s3  }
0xa9: {  	[dreg:$0x3] =	wrdreg s5  }
0xaa: {  	[dreg:$0x4] =	wrdreg $0xC0  }
0xab: {  	_ =	task [dreg:s7], $0x5FFFF  }
0xac: {  	[dreg:$0x1] =	wrdreg $0xFFFFFFFF  }
0xad: {  	[dreg:$0x0] =	wrdreg $0x60  }
0xae: {  	[dreg:$0x2] =	wrdreg s24  }
0xaf: {  	[dreg:$0x3] =	wrdreg s2  }
0xb0: {  	[dreg:$0x4] =	wrdreg $0x9  }
0xb1: {  	_ =	task.clear_ibuf [dreg:s7], $0x5FFFF;
	_ =	strace $0x90000046  }
0xb2: {  	s29 =	simm.s32 $0x9;
	_ =	strace $0x80000048  }
0xb3: {  	_ =	swait.ge [sflag:s29], $0x1  }
0xb4: {  	[sflag:s29] =	ssyncadd.s32 $0xFFFFFFFF  }
0xb5: {  	_ =	strace $0x90000048  }
0xb6: {  	_ =	sfence  }
0xb7: {  	s30 =	sld [smem:$0x0];
	_ =	sdelay $0x2  }
0xb8: {  	s31 =	sshll.u32 s1, $0xD;
	s1 =	sshrl.u32 s1, $0x2  }
0xb9: {  	s3 =	sand.u32 $0x4000, s31;
	s1 =	sadd.s32 s1, s30  }
0xba: {  	s0 =	sor.u32 s3, s0;
	s1 =	sshll.u32 s1, $0x11  }
0xbb: {  	s0 =	sor.u32 s1, s0  }
0xbc: {  	s0 =	sadd.s32 $0x8F2B, s0  }
0xbd: {  	[sflag:s0] =	ssyncadd.remote.s32 $0x1  }
0xbe: {  	_ =	sfence.sel $0xFFFF  }
0xbf: {  	[dreg:$0x0] =	wrdreg $0xFFFFFFFF;
	(pc) =	sbr.abs _section_cstart, $3  }
0xc0: {  	[dreg:$0x1] =	wrdreg $0xFFFFFFFF  }
0xc1: {  	_ =	task.clear_ibuf [dreg:s7], $0x2FFFF;
	_ =	strace $0x9FFFFFFF  }
0xc2: {  	(tm) =	ssettm $0x7FFFFFFF  }
0xc3: {  	_ =	shalt  }
tec
execute0_lowered:
.L_overlay_start_1:
0x0: {  	(tag) =	ssettag $0x1  }
0x1: {  	s0 =	rddreg [dreg:$0x0]  }
0x2: {  	s1 =	srdreg.scid;
	s2 =	stileid.u32;
	s3 =	simm.s32 $0x0  }
0x3: {  	s18 =	simm.s32 $0x80;
	s19 =	simm.s32 $0x4080;
	s20 =	simm.s32 $0x8080  }
0x4: {  	s21 =	simm.s32 $0xC080;
	s28 =	simm.s32 $0x3;
	s29 =	simm.s32 $0x7  }
0x5: {  	s30 =	simm.s32 $0x11080;
	s31 =	simm.s32 $0x4;
	s1 =	sand.u32 $0x1, s1  }
0x6: {  	s2 =	sshll.u32 s2, $0xA;
	[smem:$0x7FF] =	sst s3;
	s5 =	sadd.s32 $0x200400, s0  }
0x7: {  	s13 =	sadd.s32 $0x200600, s0;
	s4 =	sshll.u32 s1, $0x9;
	s1 =	ssub.s32 $0x2, s1  }
0x8: {  	_ =	strace $0x80000047;
	s4 =	sor.u32 s4, s2;
	s6 =	sshrl.u32 s1, $0x1  }
0x9: {  	s2 =	sshll.u32 s4, $0x7;
	s1 =	ssub.s32 s1, s6;
	s10 =	sshll.u32 s4, $0x4  }
0xa: {  	s6 =	simm.s32 $0x0;
	s2 =	sadd.s32 s2, s0;
	s26 =	smax.u32 s1, $0x1  }
0xb: {  	s0 =	simm.s32 $0x8;
	s1 =	simm.s32 $0x11880;
	s22 =	sadd.s32 $0x400, s2  }
0xc: {  	s23 =	sadd.s32 $0xC00, s2;
	s24 =	sadd.s32 $0x1400, s2;
	[dreg:$0x7] =	wrdreg s26  }
.Ltmp0:
0xd: {  	s25 =	sadd.s32 $0x1C00, s2;
	[dreg:$0x3] =	wrdreg s22;
	(pc) =	sbr.rel .LBB2_1-.Ltmp0, $4  }
0xe: {  	s11 =	sadd.s32 $0x2400, s2;
	s12 =	sadd.s32 $0x2C00, s2;
	[dreg:$0x4] =	wrdreg s23  }
0xf: {  	s14 =	sadd.s32 $0x3400, s2;
	s15 =	sadd.s32 $0x3C00, s2;
	[dreg:$0x5] =	wrdreg s24  }
0x10: {  	s26 =	simm.s32 $0x10880;
	[dreg:$0x6] =	wrdreg s25;
	s22 =	simm.s32 $0x1  }
0x11: {  	s23 =	simm.s32 $0x10080;
	s24 =	simm.s32 $0x2;
	s25 =	simm.s32 $0x6  }
.LBB2_24:
0x12: {  	s2 =	simm.s32 $0x5  }
0x13: {  	_ =	swait.ge [sflag:s2], $0x800  }
0x14: {  	[sflag:s2] =	ssyncset.done $0x0  }
0x15: {  	[sflag:s2] =	ssyncadd.s32 $0xFFFFF800  }
0x16: {  	_ =	swait.ge [sflag:s25], $0x800  }
0x17: {  	[sflag:s25] =	ssyncset.done $0x0  }
0x18: {  	[sflag:s25] =	ssyncadd.s32 $0xFFFFF800  }
0x19: {  	_ =	swait.ge [sflag:s29], $0x800  }
0x1a: {  	[sflag:s29] =	ssyncset.done $0x0  }
0x1b: {  	[sflag:s29] =	ssyncadd.s32 $0xFFFFF800  }
0x1c: {  	_ =	swait.ge [sflag:s0], $0x800  }
0x1d: {  	s6 =	sadd.s32 $0x1, s6;
	s17 =	rddreg [dreg:$0x7]  }
0x1e: {  	p0 =	sne.s32 s6, s17  }
.Ltmp1:
0x1f: {  	_ = 	snop;
	(pc) =	sbr.rel @!p0 .LBB2_25-.Ltmp1, $3  }
0x20: {  	_ =	sdelay $0x1  }
0x21: {  	[sflag:s0] =	ssyncset.done $0x0  }
0x22: {  	[sflag:s0] =	ssyncadd.s32 $0xFFFFF800  }
.LBB2_1:
0x23: {  	s2 =	rddreg [dreg:$0x1];
	s7 =	simm.s32 $0x9  }
0x24: {  	[tilespmem:s3], [sflag:$0x9] =	stream.linear.gather [hbm4b:s2+s3], $0x80, $0x38;
	[tilespmem:$0x12080] =	vst v63  }
0x25: {  	_ =	swait.ge [sflag:s7], $0x80  }
0x26: {  	[sflag:s7] =	ssyncset.done $0x0  }
0x27: {  	[sflag:s7] =	ssyncadd.s32 $0xFFFFFF80  }
0x28: {  	v0 =	vld [tilespmem:$0x0]  }
0x29: {  	v2 =	vld [tilespmem:$0x20]  }
0x2a: {  	v1 =	vld [tilespmem:$0x10]  }
0x2b: {  	v7 =	vld [tilespmem:$0x54]  }
0x2c: {  	v3 =	vld [tilespmem:$0x30]  }
0x2d: {  	v6 =	vshll.u32 v0, $0x3  }
0x2e: {  	v4 =	vld [tilespmem:$0x40];
	v0 =	vand.u32 $0x7F, v0;
	v8 =	vshll.u32 v2, $0x3;
	v6 =	vand.u32 $0xFFFFFC00, v6  }
0x2f: {  	s8 =	rddreg [dreg:$0x3];
	v5 =	vld [tilespmem:$0x50];
	v0 =	vor.u32 v0, v6;
	v6 =	vand.u32 $0x7F, v1;
	v1 =	vshll.u32 v1, $0x3  }
0x30: {  	[tilespmem:s18], [sflag:$0x1] =	stream.linear.gather [hbm4b:s8+s3], $0x4000, $0x38;
	v2 =	vand.u32 $0x7F, v2;
	v9 =	vshll.u32 v7, $0x3;
	v1 =	vand.u32 $0xFFFFFC00, v1;
	[tilespmem:$0x12080] =	vst v63  }
0x31: {  	s9 =	rddreg [dreg:$0x4];
	v7 =	vand.u32 $0x7F, v7;
	v1 =	vor.u32 v6, v1;
	v6 =	vshll.u32 v3, $0x3  }
0x32: {  	[tilespmem:s19], [sflag:$0x2] =	stream.linear.gather [hbm4b:s9+s3], $0x4000, $0x38;
	v8 =	vand.u32 $0xFFFFFC00, v8;
	v3 =	vand.u32 $0x7F, v3;
	v6 =	vand.u32 $0xFFFFFC00, v6;
	[tilespmem:$0x12080] =	vst v63  }
0x33: {  	s16 =	rddreg [dreg:$0x5];
	v2 =	vor.u32 v2, v8;
	v8 =	vshll.u32 v4, $0x3;
	v3 =	vor.u32 v3, v6  }
0x34: {  	[tilespmem:s20], [sflag:$0x3] =	stream.linear.gather [hbm4b:s16+s3], $0x4000, $0x38;
	v6 =	vand.u32 $0xFFFFFC00, v8;
	v8 =	vand.u32 $0x7F, v5;
	v5 =	vshll.u32 v5, $0x3;
	[tilespmem:$0x12080] =	vst v63  }
0x35: {  	s17 =	rddreg [dreg:$0x6];
	s7 =	simm.s32 $0x0;
	v9 =	vand.u32 $0xFFFFFC00, v9;
	v4 =	vand.u32 $0x7F, v4;
	v5 =	vand.u32 $0xFFFFFC00, v5  }
0x36: {  	[tilespmem:s21], [sflag:$0x4] =	stream.linear.gather [hbm4b:s17+s3], $0x4000, $0x38;
	v4 =	vor.u32 v4, v6;
	v6 =	vor.u32 v7, v9;
	v5 =	vor.u32 v8, v5;
	[tilespmem:$0x12080] =	vst v63  }
.LBB2_2:
0x37: {  	s2 =	simm.s32 $0x0  }
0x38: {  	v7 =	vmov s2  }
0x39: {  	v8 =	vshll.u32 v7, $0xA  }
0x3a: {  	v7 =	vshll.u32 v7, $0x7;
	v8 =	vand.u32 $0x2000, v8  }
0x3b: {  	_ =	swait.ge [sflag:s22], $0x4000;
	v7 =	vand.u32 $0x380, v7;
	v9 =	vadd.s32 v0, v8  }
0x3c: {  	p0 =	seq.s32 s7, $0x0;
	[sflag:s22] =	ssyncset.done $0x0;
	v9 =	vor.u32 v7, v9  }
0x3d: {  	s2 =	simm.s32 @!p0 $0x5;
	[sflag:s22] =	ssyncadd.s32 $0xFFFFC000  }
0x3e: {  	_ =	swait.ge @!p0 [sflag:s2], $0x800  }
0x3f: {  	[sflag:s2] =	ssyncset.done @!p0 $0x0  }
0x40: {  	[sflag:s2] =	ssyncadd.s32 @!p0 $0xFFFFF800  }
0x41: {  	v10 =	vadd.s32 v1, v8;
	v9 =	vld.idx.msk [tilespmem:v9+s18+$0x0], $0xffff  }
0x42: {  	v10 =	vor.u32 v7, v10;
	_ =	sdelay $0x2  }
0x43: {  	s9 =	simm.s32 $0x100B0  }
0x44: {  	[tilespmem:s9+$0xFFFFFFD0] =	vst v9  }
0x45: {  	v9 =	vld.idx.msk [tilespmem:v10+s18+$0x0], $0xffff;
	v10 =	vadd.s32 v2, v8  }
0x46: {  	v10 =	vor.u32 v7, v10;
	_ =	sdelay $0x3  }
0x47: {  	[tilespmem:s9+$0xFFFFFFE0] =	vst v9  }
0x48: {  	v9 =	vld.idx.msk [tilespmem:v10+s18+$0x0], $0xffff;
	v10 =	vadd.s32 v3, v8  }
0x49: {  	v10 =	vor.u32 v7, v10;
	_ =	sdelay $0x3  }
0x4a: {  	[tilespmem:s9+$0xFFFFFFF0] =	vst v9  }
0x4b: {  	v9 =	vld.idx.msk [tilespmem:v10+s18+$0x0], $0xffff;
	v10 =	vadd.s32 v4, v8  }
0x4c: {  	v10 =	vor.u32 v7, v10;
	_ =	sdelay $0x3  }
0x4d: {  	[tilespmem:s9+$0x0] =	vst v9  }
0x4e: {  	v9 =	vld.idx.msk [tilespmem:v10+s18+$0x0], $0xffff;
	v10 =	vadd.s32 v5, v8  }
0x4f: {  	v10 =	vor.u32 v7, v10;
	_ =	sdelay $0x3  }
0x50: {  	[tilespmem:s9+$0x10] =	vst v9  }
0x51: {  	v9 =	vadd.s32 v6, v8;
	v8 =	vld.idx.msk [tilespmem:v10+s18+$0x0], $0xffff  }
0x52: {  	v7 =	vor.u32 v7, v9;
	_ =	sdelay $0x1  }
0x53: {  	s17 =	simm.s32 $0x1  }
0x54: {  	s8 =	sshll.u32 s7, $0xD;
	s16 =	simm.s32 $0x2;
	v9 =	vmov s17  }
.LBB2_3:
0x55: {  	p1 =	sne.s32 s16, $0xF;
	v10 =	vshll.u32 v9, $0xA;
	[tilespmem:s9+$0x20] =	vst v8  }
0x56: {  	v8 =	vshll.u32 v9, $0x7;
	v10 =	vand.u32 $0x2000, v10;
	v7 =	vld.idx.msk [tilespmem:v7+s18+$0x0], $0xffff  }
0x57: {  	v9 =	vand.u32 $0x380, v8;
	v8 =	vadd.s32 v0, v10  }
0x58: {  	v8 =	vor.u32 v9, v8;
	_ =	sdelay $0x3  }
0x59: {  	[tilespmem:s9+$0x24] =	vst v7  }
0x5a: {  	v7 =	vld.idx.msk [tilespmem:v8+s18+$0x0], $0xffff  }
0x5b: {  	v8 =	vadd.s32 v1, v10  }
0x5c: {  	v8 =	vor.u32 v9, v8;
	_ =	sdelay $0x2  }
0x5d: {  	s9 =	sadd.s32 $0x80, s9  }
0x5e: {  	[tilespmem:s9+$0xFFFFFFD0] =	vst v7  }
0x5f: {  	v7 =	vld.idx.msk [tilespmem:v8+s18+$0x0], $0xffff  }
0x60: {  	v8 =	vadd.s32 v2, v10  }
0x61: {  	v8 =	vor.u32 v9, v8;
	_ =	sdelay $0x3  }
0x62: {  	[tilespmem:s9+$0xFFFFFFE0] =	vst v7  }
0x63: {  	v7 =	vld.idx.msk [tilespmem:v8+s18+$0x0], $0xffff  }
0x64: {  	v8 =	vadd.s32 v3, v10  }
0x65: {  	v8 =	vor.u32 v9, v8;
	_ =	sdelay $0x3  }
0x66: {  	[tilespmem:s9+$0xFFFFFFF0] =	vst v7  }
0x67: {  	v7 =	vld.idx.msk [tilespmem:v8+s18+$0x0], $0xffff  }
0x68: {  	v8 =	vadd.s32 v4, v10  }
0x69: {  	v8 =	vor.u32 v9, v8;
	_ =	sdelay $0x3  }
0x6a: {  	[tilespmem:s9+$0x0] =	vst v7  }
0x6b: {  	v7 =	vld.idx.msk [tilespmem:v8+s18+$0x0], $0xffff  }
0x6c: {  	v8 =	vadd.s32 v5, v10  }
0x6d: {  	v8 =	vor.u32 v9, v8;
	_ =	sdelay $0x3  }
0x6e: {  	[tilespmem:s9+$0x10] =	vst v7  }
0x6f: {  	v8 =	vld.idx.msk [tilespmem:v8+s18+$0x0], $0xffff  }
.Ltmp2:
0x70: {  	v7 =	vadd.s32 v6, v10;
	(pc) =	sbr.rel @p1 .LBB2_3-.Ltmp2, $2  }
0x71: {  	v7 =	vor.u32 v9, v7;
	_ =	sdelay $0x2  }
0x72: {  	v9 =	vmov s16;
	s16 =	sadd.s32 $0x1, s16  }
0x73: {  	_ =	sdelay $0x1  }
0x74: {  	v10 =	vshll.u32 v9, $0xA  }
0x75: {  	[tilespmem:s9+$0x20] =	vst v8;
	v58 =	vshll.u32 v9, $0x7;
	v8 =	vand.u32 $0x2000, v10  }
0x76: {  	v7 =	vld.idx.msk [tilespmem:v7+s18+$0x0], $0xffff;
	v9 =	vand.u32 $0x380, v58;
	v10 =	vadd.s32 v0, v8  }
0x77: {  	v10 =	vor.u32 v9, v10;
	_ =	sdelay $0x3  }
0x78: {  	[tilespmem:s9+$0x24] =	vst v7  }
0x79: {  	v59 =	vadd.s32 v1, v8;
	v7 =	vld.idx.msk [tilespmem:v10+s18+$0x0], $0xffff  }
0x7a: {  	v10 =	vor.u32 v9, v59;
	_ =	sdelay $0x2  }
0x7b: {  	s2 =	sadd.s32 $0x80, s9  }
0x7c: {  	[tilespmem:s2+$0xFFFFFFD0] =	vst v7  }
0x7d: {  	v60 =	vadd.s32 v2, v8;
	v7 =	vld.idx.msk [tilespmem:v10+s18+$0x0], $0xffff  }
0x7e: {  	v10 =	vor.u32 v9, v60;
	_ =	sdelay $0x3  }
0x7f: {  	[tilespmem:s2+$0xFFFFFFE0] =	vst v7  }
0x80: {  	v61 =	vadd.s32 v3, v8;
	v7 =	vld.idx.msk [tilespmem:v10+s18+$0x0], $0xffff  }
0x81: {  	v10 =	vor.u32 v9, v61;
	_ =	sdelay $0x3  }
0x82: {  	[tilespmem:s2+$0xFFFFFFF0] =	vst v7  }
0x83: {  	v62 =	vadd.s32 v4, v8;
	v7 =	vld.idx.msk [tilespmem:v10+s18+$0x0], $0xffff  }
0x84: {  	v10 =	vor.u32 v9, v62;
	_ =	sdelay $0x3  }
0x85: {  	[tilespmem:s2+$0x0] =	vst v7  }
0x86: {  	v63 =	vadd.s32 v5, v8;
	v7 =	vld.idx.msk [tilespmem:v10+s18+$0x0], $0xffff  }
0x87: {  	v10 =	vor.u32 v9, v63;
	_ =	sdelay $0x3  }
0x88: {  	[tilespmem:s2+$0x10] =	vst v7  }
0x89: {  	v8 =	vadd.s32 v6, v8;
	v7 =	vld.idx.msk [tilespmem:v10+s18+$0x0], $0xffff  }
0x8a: {  	v8 =	vor.u32 v9, v8;
	_ =	sdelay $0x3  }
0x8b: {  	[tilespmem:s2+$0x20] =	vst v7  }
0x8c: {  	v7 =	vld.idx.msk [tilespmem:v8+s18+$0x0], $0xffff;
	_ =	sdelay $0x1  }
0x8d: {  	p1 =	sne.s32 s7, $0x7  }
.Ltmp3:
0x8e: {  	_ = 	snop;
	(pc) =	sbr.rel @p1 .LBB2_6-.Ltmp3, $4  }
0x8f: {  	s16 =	sshll.u32 s7, $0xA  }
0x90: {  	s9 =	sadd.s32 s10, s16;
	[tilespmem:s2+$0x24] =	vst v7  }
0x91: {  	s17 =	sadd.s32 s5, s9;
	[bflag:$0x0] =	sbarrier.arrive $0xFFFF  }
0x92: {  	[hbm4b:s17+s3] =	stream.linear.scatter [tilespmem:s23], [sflag:$0x5], $0x800, $0x38;
	[tilespmem:$0x12080] =	vst v63  }
.Ltmp4:
0x93: {  	(pc) =	sbr.rel .LBB2_7-.Ltmp4, $4  }
0x94: {  	_ = 	snop  }
0x95: {  	_ =	swait.ge [sflag:s24], $0x4000  }
0x96: {  	[sflag:s24] =	ssyncset.done $0x0  }
0x97: {  	[sflag:s24] =	ssyncadd.s32 $0xFFFFC000  }
.LBB2_6:
.Ltmp5:
0x98: {  	s2 =	sadd.s32 s8, s11;
	(pc) =	sbr.rel @p0 .LBB2_8-.Ltmp5, $4  }
0x99: {  	[tilespmem:s18], [sflag:$0x1] =	stream.linear.gather [hbm4b:s2+s3], $0x4000, $0x38;
	[tilespmem:$0x12080] =	vst v63  }
0x9a: {  	_ =	swait.ge [sflag:s24], $0x4000  }
0x9b: {  	[sflag:s24] =	ssyncset.done $0x0  }
0x9c: {  	[sflag:s24] =	ssyncadd.s32 $0xFFFFC000  }
.LBB2_7:
0x9d: {  	_ =	swait.ge [sflag:s25], $0x800  }
0x9e: {  	[sflag:s25] =	ssyncset.done $0x0  }
0x9f: {  	[sflag:s25] =	ssyncadd.s32 $0xFFFFF800  }
.LBB2_8:
0xa0: {  	s2 =	simm.s32 $0x0  }
0xa1: {  	v7 =	vmov s2  }
0xa2: {  	v8 =	vshll.u32 v7, $0xA  }
0xa3: {  	v7 =	vshll.u32 v7, $0x7;
	v8 =	vand.u32 $0x2000, v8  }
0xa4: {  	v7 =	vand.u32 $0x380, v7;
	v9 =	vadd.s32 v0, v8  }
0xa5: {  	v9 =	vor.u32 v7, v9;
	_ =	sdelay $0x4  }
0xa6: {  	v10 =	vadd.s32 v1, v8;
	v9 =	vld.idx.msk [tilespmem:v9+s19+$0x0], $0xffff  }
0xa7: {  	v10 =	vor.u32 v7, v10;
	_ =	sdelay $0x2  }
0xa8: {  	s16 =	simm.s32 $0x108B0  }
0xa9: {  	[tilespmem:s16+$0xFFFFFFD0] =	vst v9  }
0xaa: {  	v9 =	vld.idx.msk [tilespmem:v10+s19+$0x0], $0xffff;
	v10 =	vadd.s32 v2, v8  }
0xab: {  	v10 =	vor.u32 v7, v10;
	_ =	sdelay $0x3  }
0xac: {  	[tilespmem:s16+$0xFFFFFFE0] =	vst v9  }
0xad: {  	v9 =	vld.idx.msk [tilespmem:v10+s19+$0x0], $0xffff;
	v10 =	vadd.s32 v3, v8  }
0xae: {  	v10 =	vor.u32 v7, v10;
	_ =	sdelay $0x3  }
0xaf: {  	[tilespmem:s16+$0xFFFFFFF0] =	vst v9  }
0xb0: {  	v9 =	vld.idx.msk [tilespmem:v10+s19+$0x0], $0xffff;
	v10 =	vadd.s32 v4, v8  }
0xb1: {  	v10 =	vor.u32 v7, v10;
	_ =	sdelay $0x3  }
0xb2: {  	[tilespmem:s16+$0x0] =	vst v9  }
0xb3: {  	v9 =	vld.idx.msk [tilespmem:v10+s19+$0x0], $0xffff;
	v10 =	vadd.s32 v5, v8  }
0xb4: {  	v10 =	vor.u32 v7, v10;
	_ =	sdelay $0x3  }
0xb5: {  	[tilespmem:s16+$0x10] =	vst v9  }
0xb6: {  	v9 =	vadd.s32 v6, v8;
	v8 =	vld.idx.msk [tilespmem:v10+s19+$0x0], $0xffff  }
0xb7: {  	v7 =	vor.u32 v7, v9;
	_ =	sdelay $0x1  }
0xb8: {  	s17 =	simm.s32 $0x1  }
0xb9: {  	v9 =	vmov s17;
	s17 =	simm.s32 $0x2  }
.LBB2_9:
0xba: {  	p2 =	sne.s32 s17, $0xF;
	v10 =	vshll.u32 v9, $0xA;
	[tilespmem:s16+$0x20] =	vst v8  }
0xbb: {  	v8 =	vshll.u32 v9, $0x7;
	v10 =	vand.u32 $0x2000, v10;
	v7 =	vld.idx.msk [tilespmem:v7+s19+$0x0], $0xffff  }
0xbc: {  	v9 =	vand.u32 $0x380, v8;
	v8 =	vadd.s32 v0, v10  }
0xbd: {  	v8 =	vor.u32 v9, v8;
	_ =	sdelay $0x3  }
0xbe: {  	[tilespmem:s16+$0x24] =	vst v7  }
0xbf: {  	v7 =	vld.idx.msk [tilespmem:v8+s19+$0x0], $0xffff  }
0xc0: {  	v8 =	vadd.s32 v1, v10  }
0xc1: {  	v8 =	vor.u32 v9, v8;
	_ =	sdelay $0x2  }
0xc2: {  	s16 =	sadd.s32 $0x80, s16  }
0xc3: {  	[tilespmem:s16+$0xFFFFFFD0] =	vst v7  }
0xc4: {  	v7 =	vld.idx.msk [tilespmem:v8+s19+$0x0], $0xffff  }
0xc5: {  	v8 =	vadd.s32 v2, v10  }
0xc6: {  	v8 =	vor.u32 v9, v8;
	_ =	sdelay $0x3  }
0xc7: {  	[tilespmem:s16+$0xFFFFFFE0] =	vst v7  }
0xc8: {  	v7 =	vld.idx.msk [tilespmem:v8+s19+$0x0], $0xffff  }
0xc9: {  	v8 =	vadd.s32 v3, v10  }
0xca: {  	v8 =	vor.u32 v9, v8;
	_ =	sdelay $0x3  }
0xcb: {  	[tilespmem:s16+$0xFFFFFFF0] =	vst v7  }
0xcc: {  	v7 =	vld.idx.msk [tilespmem:v8+s19+$0x0], $0xffff  }
0xcd: {  	v8 =	vadd.s32 v4, v10  }
0xce: {  	v8 =	vor.u32 v9, v8;
	_ =	sdelay $0x3  }
0xcf: {  	[tilespmem:s16+$0x0] =	vst v7  }
0xd0: {  	v7 =	vld.idx.msk [tilespmem:v8+s19+$0x0], $0xffff  }
0xd1: {  	v8 =	vadd.s32 v5, v10  }
0xd2: {  	v8 =	vor.u32 v9, v8;
	_ =	sdelay $0x3  }
0xd3: {  	[tilespmem:s16+$0x10] =	vst v7  }
0xd4: {  	v8 =	vld.idx.msk [tilespmem:v8+s19+$0x0], $0xffff  }
.Ltmp6:
0xd5: {  	v7 =	vadd.s32 v6, v10;
	(pc) =	sbr.rel @p2 .LBB2_9-.Ltmp6, $2  }
0xd6: {  	v7 =	vor.u32 v9, v7;
	_ =	sdelay $0x2  }
0xd7: {  	v9 =	vmov s17;
	s17 =	sadd.s32 $0x1, s17  }
0xd8: {  	_ =	sdelay $0x1  }
0xd9: {  	v10 =	vshll.u32 v9, $0xA  }
0xda: {  	[tilespmem:s16+$0x20] =	vst v8;
	v58 =	vshll.u32 v9, $0x7;
	v8 =	vand.u32 $0x2000, v10  }
0xdb: {  	v7 =	vld.idx.msk [tilespmem:v7+s19+$0x0], $0xffff;
	v9 =	vand.u32 $0x380, v58;
	v10 =	vadd.s32 v0, v8  }
0xdc: {  	v10 =	vor.u32 v9, v10;
	_ =	sdelay $0x3  }
0xdd: {  	[tilespmem:s16+$0x24] =	vst v7  }
0xde: {  	v59 =	vadd.s32 v1, v8;
	v7 =	vld.idx.msk [tilespmem:v10+s19+$0x0], $0xffff  }
0xdf: {  	v10 =	vor.u32 v9, v59;
	_ =	sdelay $0x2  }
0xe0: {  	s2 =	sadd.s32 $0x80, s16  }
0xe1: {  	[tilespmem:s2+$0xFFFFFFD0] =	vst v7  }
0xe2: {  	v60 =	vadd.s32 v2, v8;
	v7 =	vld.idx.msk [tilespmem:v10+s19+$0x0], $0xffff  }
0xe3: {  	v10 =	vor.u32 v9, v60;
	_ =	sdelay $0x3  }
0xe4: {  	[tilespmem:s2+$0xFFFFFFE0] =	vst v7  }
0xe5: {  	v61 =	vadd.s32 v3, v8;
	v7 =	vld.idx.msk [tilespmem:v10+s19+$0x0], $0xffff  }
0xe6: {  	v10 =	vor.u32 v9, v61;
	_ =	sdelay $0x3  }
0xe7: {  	[tilespmem:s2+$0xFFFFFFF0] =	vst v7  }
0xe8: {  	v62 =	vadd.s32 v4, v8;
	v7 =	vld.idx.msk [tilespmem:v10+s19+$0x0], $0xffff  }
0xe9: {  	v10 =	vor.u32 v9, v62;
	_ =	sdelay $0x3  }
0xea: {  	[tilespmem:s2+$0x0] =	vst v7  }
0xeb: {  	v63 =	vadd.s32 v5, v8;
	v7 =	vld.idx.msk [tilespmem:v10+s19+$0x0], $0xffff  }
0xec: {  	v10 =	vor.u32 v9, v63;
	_ =	sdelay $0x3  }
0xed: {  	[tilespmem:s2+$0x10] =	vst v7  }
0xee: {  	v8 =	vadd.s32 v6, v8;
	v7 =	vld.idx.msk [tilespmem:v10+s19+$0x0], $0xffff  }
0xef: {  	v8 =	vor.u32 v9, v8;
	_ =	sdelay $0x3  }
0xf0: {  	[tilespmem:s2+$0x20] =	vst v7  }
0xf1: {  	v7 =	vld.idx.msk [tilespmem:v8+s19+$0x0], $0xffff;
	_ =	sdelay $0x1  }
0xf2: {  	s17 =	sshll.u32 s7, $0x6  }
.Ltmp7:
0xf3: {  	s16 =	sadd.s32 s17, s4;
	(pc) =	sbr.rel @p1 .LBB2_12-.Ltmp7, $4  }
0xf4: {  	s16 =	sshll.u32 s16, $0x4  }
0xf5: {  	s16 =	sadd.s32 s5, s16;
	[tilespmem:s2+$0x24] =	vst v7  }
0xf6: {  	s17 =	sadd.s32 $0x100, s16;
	[bflag:$0x0] =	sbarrier.arrive $0xFFFF  }
0xf7: {  	[hbm4b:s17+s3] =	stream.linear.scatter [tilespmem:s26], [sflag:$0x6], $0x800, $0x38;
	[tilespmem:$0x12080] =	vst v63  }
.Ltmp8:
0xf8: {  	(pc) =	sbr.rel .LBB2_13-.Ltmp8, $4  }
0xf9: {  	_ = 	snop  }
0xfa: {  	_ =	swait.ge [sflag:s28], $0x4000  }
0xfb: {  	[sflag:s28] =	ssyncset.done $0x0  }
0xfc: {  	[sflag:s28] =	ssyncadd.s32 $0xFFFFC000  }
.LBB2_12:
.Ltmp9:
0xfd: {  	s2 =	sadd.s32 s8, s12;
	(pc) =	sbr.rel @p0 .LBB2_14-.Ltmp9, $4  }
0xfe: {  	[tilespmem:s19], [sflag:$0x2] =	stream.linear.gather [hbm4b:s2+s3], $0x4000, $0x38;
	[tilespmem:$0x12080] =	vst v63  }
0xff: {  	_ =	swait.ge [sflag:s28], $0x4000  }
0x100: {  	[sflag:s28] =	ssyncset.done $0x0  }
0x101: {  	[sflag:s28] =	ssyncadd.s32 $0xFFFFC000  }
.LBB2_13:
0x102: {  	_ =	swait.ge [sflag:s29], $0x800  }
0x103: {  	[sflag:s29] =	ssyncset.done $0x0  }
0x104: {  	[sflag:s29] =	ssyncadd.s32 $0xFFFFF800  }
.LBB2_14:
0x105: {  	s2 =	simm.s32 $0x0  }
0x106: {  	v7 =	vmov s2  }
0x107: {  	v8 =	vshll.u32 v7, $0xA  }
0x108: {  	v7 =	vshll.u32 v7, $0x7;
	v8 =	vand.u32 $0x2000, v8  }
0x109: {  	v7 =	vand.u32 $0x380, v7;
	v9 =	vadd.s32 v0, v8  }
0x10a: {  	v9 =	vor.u32 v7, v9;
	_ =	sdelay $0x4  }
0x10b: {  	v10 =	vadd.s32 v1, v8;
	v9 =	vld.idx.msk [tilespmem:v9+s20+$0x0], $0xffff  }
0x10c: {  	v10 =	vor.u32 v7, v10;
	_ =	sdelay $0x2  }
0x10d: {  	s17 =	simm.s32 $0x110B0  }
0x10e: {  	[tilespmem:s17+$0xFFFFFFD0] =	vst v9  }
0x10f: {  	v9 =	vld.idx.msk [tilespmem:v10+s20+$0x0], $0xffff;
	v10 =	vadd.s32 v2, v8  }
0x110: {  	v10 =	vor.u32 v7, v10;
	_ =	sdelay $0x3  }
0x111: {  	[tilespmem:s17+$0xFFFFFFE0] =	vst v9  }
0x112: {  	v9 =	vld.idx.msk [tilespmem:v10+s20+$0x0], $0xffff;
	v10 =	vadd.s32 v3, v8  }
0x113: {  	v10 =	vor.u32 v7, v10;
	_ =	sdelay $0x3  }
0x114: {  	[tilespmem:s17+$0xFFFFFFF0] =	vst v9  }
0x115: {  	v9 =	vld.idx.msk [tilespmem:v10+s20+$0x0], $0xffff;
	v10 =	vadd.s32 v4, v8  }
0x116: {  	v10 =	vor.u32 v7, v10;
	_ =	sdelay $0x3  }
0x117: {  	[tilespmem:s17+$0x0] =	vst v9  }
0x118: {  	v9 =	vld.idx.msk [tilespmem:v10+s20+$0x0], $0xffff;
	v10 =	vadd.s32 v5, v8  }
0x119: {  	v10 =	vor.u32 v7, v10;
	_ =	sdelay $0x3  }
0x11a: {  	[tilespmem:s17+$0x10] =	vst v9  }
0x11b: {  	v9 =	vadd.s32 v6, v8;
	v8 =	vld.idx.msk [tilespmem:v10+s20+$0x0], $0xffff  }
0x11c: {  	v7 =	vor.u32 v7, v9;
	_ =	sdelay $0x1  }
0x11d: {  	s2 =	simm.s32 $0x1  }
0x11e: {  	v9 =	vmov s2;
	s2 =	simm.s32 $0x2  }
.LBB2_15:
0x11f: {  	p2 =	sne.s32 s2, $0xF;
	v10 =	vshll.u32 v9, $0xA;
	[tilespmem:s17+$0x20] =	vst v8  }
0x120: {  	v8 =	vshll.u32 v9, $0x7;
	v10 =	vand.u32 $0x2000, v10;
	v7 =	vld.idx.msk [tilespmem:v7+s20+$0x0], $0xffff  }
0x121: {  	v9 =	vand.u32 $0x380, v8;
	v8 =	vadd.s32 v0, v10  }
0x122: {  	v8 =	vor.u32 v9, v8;
	_ =	sdelay $0x3  }
0x123: {  	[tilespmem:s17+$0x24] =	vst v7  }
0x124: {  	v7 =	vld.idx.msk [tilespmem:v8+s20+$0x0], $0xffff  }
0x125: {  	v8 =	vadd.s32 v1, v10  }
0x126: {  	v8 =	vor.u32 v9, v8;
	_ =	sdelay $0x2  }
0x127: {  	s17 =	sadd.s32 $0x80, s17  }
0x128: {  	[tilespmem:s17+$0xFFFFFFD0] =	vst v7  }
0x129: {  	v7 =	vld.idx.msk [tilespmem:v8+s20+$0x0], $0xffff  }
0x12a: {  	v8 =	vadd.s32 v2, v10  }
0x12b: {  	v8 =	vor.u32 v9, v8;
	_ =	sdelay $0x3  }
0x12c: {  	[tilespmem:s17+$0xFFFFFFE0] =	vst v7  }
0x12d: {  	v7 =	vld.idx.msk [tilespmem:v8+s20+$0x0], $0xffff  }
0x12e: {  	v8 =	vadd.s32 v3, v10  }
0x12f: {  	v8 =	vor.u32 v9, v8;
	_ =	sdelay $0x3  }
0x130: {  	[tilespmem:s17+$0xFFFFFFF0] =	vst v7  }
0x131: {  	v7 =	vld.idx.msk [tilespmem:v8+s20+$0x0], $0xffff  }
0x132: {  	v8 =	vadd.s32 v4, v10  }
0x133: {  	v8 =	vor.u32 v9, v8;
	_ =	sdelay $0x3  }
0x134: {  	[tilespmem:s17+$0x0] =	vst v7  }
0x135: {  	v7 =	vld.idx.msk [tilespmem:v8+s20+$0x0], $0xffff  }
0x136: {  	v8 =	vadd.s32 v5, v10  }
0x137: {  	v8 =	vor.u32 v9, v8;
	_ =	sdelay $0x3  }
0x138: {  	[tilespmem:s17+$0x10] =	vst v7  }
0x139: {  	v8 =	vld.idx.msk [tilespmem:v8+s20+$0x0], $0xffff  }
.Ltmp10:
0x13a: {  	v7 =	vadd.s32 v6, v10;
	(pc) =	sbr.rel @p2 .LBB2_15-.Ltmp10, $2  }
0x13b: {  	v7 =	vor.u32 v9, v7;
	_ =	sdelay $0x2  }
0x13c: {  	v9 =	vmov s2;
	s2 =	sadd.s32 $0x1, s2  }
0x13d: {  	_ =	sdelay $0x1  }
0x13e: {  	v10 =	vshll.u32 v9, $0xA  }
0x13f: {  	[tilespmem:s17+$0x20] =	vst v8;
	v58 =	vshll.u32 v9, $0x7;
	v8 =	vand.u32 $0x2000, v10  }
0x140: {  	v7 =	vld.idx.msk [tilespmem:v7+s20+$0x0], $0xffff;
	v9 =	vand.u32 $0x380, v58;
	v10 =	vadd.s32 v0, v8  }
0x141: {  	v10 =	vor.u32 v9, v10;
	_ =	sdelay $0x3  }
0x142: {  	[tilespmem:s17+$0x24] =	vst v7  }
0x143: {  	v59 =	vadd.s32 v1, v8;
	v7 =	vld.idx.msk [tilespmem:v10+s20+$0x0], $0xffff  }
0x144: {  	v10 =	vor.u32 v9, v59;
	_ =	sdelay $0x2  }
0x145: {  	s2 =	sadd.s32 $0x80, s17  }
0x146: {  	[tilespmem:s2+$0xFFFFFFD0] =	vst v7  }
0x147: {  	v60 =	vadd.s32 v2, v8;
	v7 =	vld.idx.msk [tilespmem:v10+s20+$0x0], $0xffff  }
0x148: {  	v10 =	vor.u32 v9, v60;
	_ =	sdelay $0x3  }
0x149: {  	[tilespmem:s2+$0xFFFFFFE0] =	vst v7  }
0x14a: {  	v61 =	vadd.s32 v3, v8;
	v7 =	vld.idx.msk [tilespmem:v10+s20+$0x0], $0xffff  }
0x14b: {  	v10 =	vor.u32 v9, v61;
	_ =	sdelay $0x3  }
0x14c: {  	[tilespmem:s2+$0xFFFFFFF0] =	vst v7  }
0x14d: {  	v62 =	vadd.s32 v4, v8;
	v7 =	vld.idx.msk [tilespmem:v10+s20+$0x0], $0xffff  }
0x14e: {  	v10 =	vor.u32 v9, v62;
	_ =	sdelay $0x3  }
0x14f: {  	[tilespmem:s2+$0x0] =	vst v7  }
0x150: {  	v63 =	vadd.s32 v5, v8;
	v7 =	vld.idx.msk [tilespmem:v10+s20+$0x0], $0xffff  }
0x151: {  	v10 =	vor.u32 v9, v63;
	_ =	sdelay $0x3  }
0x152: {  	[tilespmem:s2+$0x10] =	vst v7  }
0x153: {  	v8 =	vadd.s32 v6, v8;
	v7 =	vld.idx.msk [tilespmem:v10+s20+$0x0], $0xffff  }
0x154: {  	v8 =	vor.u32 v9, v8;
	_ =	sdelay $0x3  }
0x155: {  	[tilespmem:s2+$0x20] =	vst v7  }
0x156: {  	v7 =	vld.idx.msk [tilespmem:v8+s20+$0x0], $0xffff;
	_ =	sdelay $0x2  }
.Ltmp11:
0x157: {  	_ = 	snop;
	(pc) =	sbr.rel @p1 .LBB2_18-.Ltmp11, $4  }
0x158: {  	_ = 	snop  }
0x159: {  	[tilespmem:s2+$0x24] =	vst v7  }
0x15a: {  	s17 =	sadd.s32 s9, s13;
	[bflag:$0x0] =	sbarrier.arrive $0xFFFF  }
0x15b: {  	[hbm4b:s17+s3] =	stream.linear.scatter [tilespmem:s30], [sflag:$0x7], $0x800, $0x38;
	[tilespmem:$0x12080] =	vst v63  }
.Ltmp12:
0x15c: {  	(pc) =	sbr.rel .LBB2_19-.Ltmp12, $4  }
0x15d: {  	_ = 	snop  }
0x15e: {  	_ =	swait.ge [sflag:s31], $0x4000  }
0x15f: {  	[sflag:s31] =	ssyncset.done $0x0  }
0x160: {  	[sflag:s31] =	ssyncadd.s32 $0xFFFFC000  }
.LBB2_18:
.Ltmp13:
0x161: {  	s2 =	sadd.s32 s8, s14;
	(pc) =	sbr.rel @p0 .LBB2_20-.Ltmp13, $4  }
0x162: {  	[tilespmem:s20], [sflag:$0x3] =	stream.linear.gather [hbm4b:s2+s3], $0x4000, $0x38;
	[tilespmem:$0x12080] =	vst v63  }
0x163: {  	_ =	swait.ge [sflag:s31], $0x4000  }
0x164: {  	[sflag:s31] =	ssyncset.done $0x0  }
0x165: {  	[sflag:s31] =	ssyncadd.s32 $0xFFFFC000  }
.LBB2_19:
0x166: {  	_ =	swait.ge [sflag:s0], $0x800  }
0x167: {  	[sflag:s0] =	ssyncset.done $0x0  }
0x168: {  	[sflag:s0] =	ssyncadd.s32 $0xFFFFF800  }
.LBB2_20:
0x169: {  	s2 =	simm.s32 $0x0  }
0x16a: {  	v7 =	vmov s2  }
0x16b: {  	v8 =	vshll.u32 v7, $0xA  }
0x16c: {  	v7 =	vshll.u32 v7, $0x7;
	v8 =	vand.u32 $0x2000, v8  }
0x16d: {  	v7 =	vand.u32 $0x380, v7;
	v9 =	vadd.s32 v0, v8  }
0x16e: {  	v9 =	vor.u32 v7, v9;
	_ =	sdelay $0x4  }
0x16f: {  	v10 =	vadd.s32 v1, v8;
	v9 =	vld.idx.msk [tilespmem:v9+s21+$0x0], $0xffff  }
0x170: {  	v10 =	vor.u32 v7, v10;
	_ =	sdelay $0x2  }
0x171: {  	s9 =	simm.s32 $0x118B0  }
0x172: {  	[tilespmem:s9+$0xFFFFFFD0] =	vst v9  }
0x173: {  	v9 =	vld.idx.msk [tilespmem:v10+s21+$0x0], $0xffff;
	v10 =	vadd.s32 v2, v8  }
0x174: {  	v10 =	vor.u32 v7, v10;
	_ =	sdelay $0x3  }
0x175: {  	[tilespmem:s9+$0xFFFFFFE0] =	vst v9  }
0x176: {  	v9 =	vld.idx.msk [tilespmem:v10+s21+$0x0], $0xffff;
	v10 =	vadd.s32 v3, v8  }
0x177: {  	v10 =	vor.u32 v7, v10;
	_ =	sdelay $0x3  }
0x178: {  	[tilespmem:s9+$0xFFFFFFF0] =	vst v9  }
0x179: {  	v9 =	vld.idx.msk [tilespmem:v10+s21+$0x0], $0xffff;
	v10 =	vadd.s32 v4, v8  }
0x17a: {  	v10 =	vor.u32 v7, v10;
	_ =	sdelay $0x3  }
0x17b: {  	[tilespmem:s9+$0x0] =	vst v9  }
0x17c: {  	v9 =	vld.idx.msk [tilespmem:v10+s21+$0x0], $0xffff;
	v10 =	vadd.s32 v5, v8  }
0x17d: {  	v10 =	vor.u32 v7, v10;
	_ =	sdelay $0x3  }
0x17e: {  	[tilespmem:s9+$0x10] =	vst v9  }
0x17f: {  	v9 =	vadd.s32 v6, v8;
	v8 =	vld.idx.msk [tilespmem:v10+s21+$0x0], $0xffff  }
0x180: {  	v7 =	vor.u32 v7, v9;
	_ =	sdelay $0x1  }
0x181: {  	s17 =	simm.s32 $0x1  }
0x182: {  	s2 =	simm.s32 $0x2;
	v9 =	vmov s17  }
.LBB2_21:
0x183: {  	p0 =	sne.s32 s2, $0xF;
	v10 =	vshll.u32 v9, $0xA;
	[tilespmem:s9+$0x20] =	vst v8  }
0x184: {  	v8 =	vshll.u32 v9, $0x7;
	v10 =	vand.u32 $0x2000, v10;
	v7 =	vld.idx.msk [tilespmem:v7+s21+$0x0], $0xffff  }
0x185: {  	v9 =	vand.u32 $0x380, v8;
	v8 =	vadd.s32 v0, v10  }
0x186: {  	v8 =	vor.u32 v9, v8;
	_ =	sdelay $0x3  }
0x187: {  	[tilespmem:s9+$0x24] =	vst v7  }
0x188: {  	v7 =	vld.idx.msk [tilespmem:v8+s21+$0x0], $0xffff  }
0x189: {  	v8 =	vadd.s32 v1, v10  }
0x18a: {  	v8 =	vor.u32 v9, v8;
	_ =	sdelay $0x2  }
0x18b: {  	s9 =	sadd.s32 $0x80, s9  }
0x18c: {  	[tilespmem:s9+$0xFFFFFFD0] =	vst v7  }
0x18d: {  	v7 =	vld.idx.msk [tilespmem:v8+s21+$0x0], $0xffff  }
0x18e: {  	v8 =	vadd.s32 v2, v10  }
0x18f: {  	v8 =	vor.u32 v9, v8;
	_ =	sdelay $0x3  }
0x190: {  	[tilespmem:s9+$0xFFFFFFE0] =	vst v7  }
0x191: {  	v7 =	vld.idx.msk [tilespmem:v8+s21+$0x0], $0xffff  }
0x192: {  	v8 =	vadd.s32 v3, v10  }
0x193: {  	v8 =	vor.u32 v9, v8;
	_ =	sdelay $0x3  }
0x194: {  	[tilespmem:s9+$0xFFFFFFF0] =	vst v7  }
0x195: {  	v7 =	vld.idx.msk [tilespmem:v8+s21+$0x0], $0xffff  }
0x196: {  	v8 =	vadd.s32 v4, v10  }
0x197: {  	v8 =	vor.u32 v9, v8;
	_ =	sdelay $0x3  }
0x198: {  	[tilespmem:s9+$0x0] =	vst v7  }
0x199: {  	v7 =	vld.idx.msk [tilespmem:v8+s21+$0x0], $0xffff  }
0x19a: {  	v8 =	vadd.s32 v5, v10  }
0x19b: {  	v8 =	vor.u32 v9, v8;
	_ =	sdelay $0x3  }
0x19c: {  	[tilespmem:s9+$0x10] =	vst v7  }
0x19d: {  	v8 =	vld.idx.msk [tilespmem:v8+s21+$0x0], $0xffff  }
.Ltmp14:
0x19e: {  	v7 =	vadd.s32 v6, v10;
	(pc) =	sbr.rel @p0 .LBB2_21-.Ltmp14, $2  }
0x19f: {  	v7 =	vor.u32 v9, v7;
	_ =	sdelay $0x2  }
0x1a0: {  	v9 =	vmov s2;
	s2 =	sadd.s32 $0x1, s2  }
0x1a1: {  	_ =	sdelay $0x1  }
0x1a2: {  	v10 =	vshll.u32 v9, $0xA  }
0x1a3: {  	[tilespmem:s9+$0x20] =	vst v8;
	v58 =	vshll.u32 v9, $0x7;
	v8 =	vand.u32 $0x2000, v10  }
0x1a4: {  	v7 =	vld.idx.msk [tilespmem:v7+s21+$0x0], $0xffff;
	v9 =	vand.u32 $0x380, v58;
	v10 =	vadd.s32 v0, v8  }
0x1a5: {  	v10 =	vor.u32 v9, v10;
	_ =	sdelay $0x3  }
0x1a6: {  	[tilespmem:s9+$0x24] =	vst v7  }
0x1a7: {  	v59 =	vadd.s32 v1, v8;
	v7 =	vld.idx.msk [tilespmem:v10+s21+$0x0], $0xffff  }
0x1a8: {  	v10 =	vor.u32 v9, v59;
	_ =	sdelay $0x2  }
0x1a9: {  	s2 =	sadd.s32 $0x80, s9  }
0x1aa: {  	[tilespmem:s2+$0xFFFFFFD0] =	vst v7  }
0x1ab: {  	v60 =	vadd.s32 v2, v8;
	v7 =	vld.idx.msk [tilespmem:v10+s21+$0x0], $0xffff  }
0x1ac: {  	v10 =	vor.u32 v9, v60;
	_ =	sdelay $0x3  }
0x1ad: {  	[tilespmem:s2+$0xFFFFFFE0] =	vst v7  }
0x1ae: {  	v61 =	vadd.s32 v3, v8;
	v7 =	vld.idx.msk [tilespmem:v10+s21+$0x0], $0xffff  }
0x1af: {  	v10 =	vor.u32 v9, v61;
	_ =	sdelay $0x3  }
0x1b0: {  	[tilespmem:s2+$0xFFFFFFF0] =	vst v7  }
0x1b1: {  	v62 =	vadd.s32 v4, v8;
	v7 =	vld.idx.msk [tilespmem:v10+s21+$0x0], $0xffff  }
0x1b2: {  	v10 =	vor.u32 v9, v62;
	_ =	sdelay $0x3  }
0x1b3: {  	[tilespmem:s2+$0x0] =	vst v7  }
0x1b4: {  	v63 =	vadd.s32 v5, v8;
	v7 =	vld.idx.msk [tilespmem:v10+s21+$0x0], $0xffff  }
0x1b5: {  	v10 =	vor.u32 v9, v63;
	_ =	sdelay $0x3  }
0x1b6: {  	[tilespmem:s2+$0x10] =	vst v7  }
0x1b7: {  	v8 =	vadd.s32 v6, v8;
	v7 =	vld.idx.msk [tilespmem:v10+s21+$0x0], $0xffff  }
0x1b8: {  	v8 =	vor.u32 v9, v8;
	_ =	sdelay $0x3  }
0x1b9: {  	[tilespmem:s2+$0x20] =	vst v7  }
0x1ba: {  	v7 =	vld.idx.msk [tilespmem:v8+s21+$0x0], $0xffff;
	_ =	sdelay $0x1  }
0x1bb: {  	p0 =	seq.s32 s7, $0x7  }
.Ltmp15:
0x1bc: {  	_ = 	snop;
	(pc) =	sbr.rel @p0 .LBB2_24-.Ltmp15, $4  }
0x1bd: {  	_ = 	snop  }
0x1be: {  	[tilespmem:s2+$0x24] =	vst v7  }
0x1bf: {  	s17 =	sadd.s32 $0x300, s16;
	[bflag:$0x0] =	sbarrier.arrive $0xFFFF  }
0x1c0: {  	[hbm4b:s17+s3] =	stream.linear.scatter [tilespmem:s1], [sflag:$0x8], $0x800, $0x38;
	[tilespmem:$0x12080] =	vst v63  }
.Ltmp16:
0x1c1: {  	(pc) =	sbr.rel .LBB2_2-.Ltmp16, $3  }
0x1c2: {  	_ =	sdelay $0x1  }
0x1c3: {  	s2 =	sadd.s32 s8, s15;
	s7 =	sadd.s32 $0x1, s7  }
0x1c4: {  	[tilespmem:s21], [sflag:$0x4] =	stream.linear.gather [hbm4b:s2+s3], $0x4000, $0x38;
	[tilespmem:$0x12080] =	vst v63  }
.LBB2_25:
0x1c5: {  	_ =	sfence.sel $0x180000  }
0x1c6: {  	[bflag:$0x0] =	sbarrier.arrive $0xFFFF  }
0x1c7: {  	_ =	strace $0x90000047  }
0x1c8: {  	s0 =	stileid.u32;
	[bflag:$0x2] =	sbarrier.arrive $0xFFFF  }
0x1c9: {  	p0 =	sne.s32 s0, $0x0;
	s0 =	rddreg [dreg:$0x2]  }
0x1ca: {  	s0 =	sadd.s32 @!p0 $0x100000, s0  }
0x1cb: {  	[sflag:s0] =	ssyncadd.tile.s32 @!p0 $0x1;
	_ =	shalt  }
.Lfunc_end2:
_tile_overlayer_lowered:
.L_overlay_start_2:
0x1cc: {  	(tag) =	ssettag $0x2  }
0x1cd: {  	s0 =	rddreg [dreg:$0x0];
	s2 =	stileid.u32  }
0x1ce: {  	s1 =	rddreg [dreg:$0x1];
	p0 =	sne.s32 s2, $0x0  }
0x1cf: {  	s3 =	rddreg [dreg:$0x2];
	[bflag:$0x3] =	sbarrier.arrive $0xFFFF;
	s2 =	simm.s32 @!p0 $0x1C09  }
0x1d0: {  	[timem:s3], [sflag:s2] =	dma.local @!p0 [hbm:s0], s1  }
0x1d1: {  	s0 =	simm.s32 @!p0 $0x9  }
0x1d2: {  	_ =	swait.ge @!p0 [sflag:s0], s1  }
0x1d3: {  	s1 =	ssub.s32 @!p0 $0x0, s1;
	[sflag:s0] =	ssyncset.done @!p0 $0x0  }
0x1d4: {  	[sflag:s0] =	ssyncadd.s32 @!p0 s1  }
0x1d5: {  	[bflag:$0x3] =	sbarrier.arrive $0xFFFF  }
0x1d6: {  	_ =	shalt  }

</sc_bundles>
